<compile_context>
chip_gen: v7x
topology: tpu7x:2x2x1
jax: 0.10.2.dev20260603
libtpu: 0.0.44.dev20260713+nightly
codegen_flags: <defaults>
</compile_context>

<pallas_src>
import functools

import jax
import jax.numpy as jnp
from jax import lax
from jax.experimental import pallas as pl
from jax.experimental.pallas import tpu as pltpu
from jax.experimental.pallas import tpu_sc as plsc

_N = 100000
_EMB = 128
_K1 = 4097
_T = 0.07
_M = 0.5
_BS = 128
_LANES = 16
_SCALE = 16384.0

_ROWS_BLK = 4096
_N_BLK = (_N + _ROWS_BLK - 1) // _ROWS_BLK
_KP = 4112
_N_TILES = 32



def _tc_scores_body(feat_ref, mem_ref, w_ref, copy_ref):
    f = feat_ref[:, :]
    fn = f / jnp.maximum(
        jnp.sqrt(jnp.sum(f * f, axis=1, keepdims=True)), 1e-12)
    blk = mem_ref[:, :]
    dn = (((1,), (1,)), ((), ()))
    s = lax.dot_general(fn, blk, dn, preferred_element_type=jnp.float32)
    w_ref.bitcast(jnp.bfloat16)[:, :] = s.astype(jnp.bfloat16)
    copy_ref[:, :] = blk


_scores_call = pl.pallas_call(
    _tc_scores_body,
    grid=(_N_BLK,),
    in_specs=[
        pl.BlockSpec((_BS, _EMB), lambda g: (0, 0)),
        pl.BlockSpec((_ROWS_BLK, _EMB), lambda g: (g, 0)),
    ],
    out_specs=[
        pl.BlockSpec((_BS // 2, _ROWS_BLK), lambda g: (0, g)),
        pl.BlockSpec((_ROWS_BLK, _EMB), lambda g: (g, 0)),
    ],
    out_shape=[
        jax.ShapeDtypeStruct((_BS // 2, _N), jnp.int32),
        jax.ShapeDtypeStruct((_N, _EMB), jnp.float32),
    ],
)



@functools.partial(
    pl.kernel,
    out_type=jax.ShapeDtypeStruct((_BS, _KP), jnp.float32),
    mesh=plsc.VectorSubcoreMesh(core_axis_name="c", subcore_axis_name="s"),
    compiler_params=pltpu.CompilerParams(needs_layout_passes=False),
    scratch_types=[
        pltpu.VMEM((_N,), jnp.int32),
        pltpu.VMEM((_KP,), jnp.int32),
        pltpu.VMEM((_KP,), jnp.float32),
    ],
)
def _sc_gather(scores_hbm, slct_hbm, out_hbm, s_v, idx_v, out_v):
    wid = lax.axis_index("s") * 2 + lax.axis_index("c")
    for pr in range(2):
        r = wid * 2 + pr
        pltpu.sync_copy(scores_hbm.at[r], s_v)
        for half in range(2):
            b = wid * 4 + pr * 2 + half
            pltpu.sync_copy(slct_hbm.at[b], idx_v)

            @plsc.parallel_loop(0, _KP // _LANES, unroll=8)
            def gbody(i, half=half):
                off = pl.multiple_of(i * _LANES, _LANES)
                ids = idx_v[pl.ds(off, _LANES)]
                w = plsc.load_gather(s_v, [ids])
                if half == 0:
                    bits = lax.shift_left(w, 16)
                else:
                    bits = w & jnp.int32(-65536)
                out_v[pl.ds(off, _LANES)] = plsc.bitcast(bits, jnp.float32)

            pltpu.sync_copy(out_v, out_hbm.at[b])



def _tc_norm_body(g_ref, o_ref):
    col = lax.broadcasted_iota(jnp.int32, (_BS, _KP), 1)
    valid = col < _K1
    e = jnp.where(valid, jnp.exp(g_ref[:, :] * (1.0 / _T)), 0.0)
    cnt = float(_BS * _K1)
    z = jnp.sum(e) * (float(_N) / cnt)
    o_ref[:, :] = (e * (1.0 / z))[:, :_K1]


_norm_call = pl.pallas_call(
    _tc_norm_body,
    in_specs=[pl.BlockSpec((_BS, _KP), lambda: (0, 0))],
    out_specs=pl.BlockSpec((_BS, _K1), lambda: (0, 0)),
    out_shape=jax.ShapeDtypeStruct((_BS, _K1), jnp.float32),
)



def _rows_l2norm(x):
    return x / jnp.maximum(
        jnp.sqrt(jnp.sum(x * x, axis=1, keepdims=True)), 1e-12)


def _tc_scatter_body(idx_ref, fv_ref, ft_ref, vmem_ref, tmem_ref,
                     vcin_ref, tcin_ref, vout_ref, tout_ref,
                     vrows, trows, vsem, tsem):
    del vcin_ref, tcin_ref

    def fire_read(i, _):
        pltpu.make_async_copy(
            vmem_ref.at[pl.ds(idx_ref[i], 1)], vrows.at[pl.ds(i, 1)],
            vsem).start()
        pltpu.make_async_copy(
            tmem_ref.at[pl.ds(idx_ref[i], 1)], trows.at[pl.ds(i, 1)],
            tsem).start()
        return 0

    lax.fori_loop(0, _BS, fire_read, 0)

    def drain_read(i, _):
        pltpu.make_async_copy(
            vmem_ref.at[pl.ds(0, 1)], vrows.at[pl.ds(0, 1)], vsem).wait()
        pltpu.make_async_copy(
            tmem_ref.at[pl.ds(0, 1)], trows.at[pl.ds(0, 1)], tsem).wait()
        return 0

    lax.fori_loop(0, _BS, drain_read, 0)

    vn = _rows_l2norm(fv_ref[:, :])
    tn = _rows_l2norm(ft_ref[:, :])
    vrows[:, :] = _rows_l2norm(vrows[:, :] * _M + vn * (1.0 - _M))
    trows[:, :] = _rows_l2norm(trows[:, :] * _M + tn * (1.0 - _M))

    def fire_write(i, _):
        pltpu.make_async_copy(
            vrows.at[pl.ds(i, 1)], vout_ref.at[pl.ds(idx_ref[i], 1)],
            vsem).start()
        pltpu.make_async_copy(
            trows.at[pl.ds(i, 1)], tout_ref.at[pl.ds(idx_ref[i], 1)],
            tsem).start()
        return 0

    lax.fori_loop(0, _BS, fire_write, 0)

    def drain_write(i, _):
        pltpu.make_async_copy(
            vrows.at[pl.ds(0, 1)], vout_ref.at[pl.ds(0, 1)], vsem).wait()
        pltpu.make_async_copy(
            trows.at[pl.ds(0, 1)], tout_ref.at[pl.ds(0, 1)], tsem).wait()
        return 0

    lax.fori_loop(0, _BS, drain_write, 0)


_scatter_call = pl.pallas_call(
    _tc_scatter_body,
    in_specs=[
        pl.BlockSpec(memory_space=pltpu.MemorySpace.SMEM),
        pl.BlockSpec((_BS, _EMB), lambda: (0, 0)),
        pl.BlockSpec((_BS, _EMB), lambda: (0, 0)),
        pl.BlockSpec(memory_space=pltpu.MemorySpace.HBM),
        pl.BlockSpec(memory_space=pltpu.MemorySpace.HBM),
        pl.BlockSpec(memory_space=pltpu.MemorySpace.HBM),
        pl.BlockSpec(memory_space=pltpu.MemorySpace.HBM),
    ],
    out_specs=[
        pl.BlockSpec(memory_space=pltpu.MemorySpace.HBM),
        pl.BlockSpec(memory_space=pltpu.MemorySpace.HBM),
    ],
    out_shape=[
        jax.ShapeDtypeStruct((_N, _EMB), jnp.float32),
        jax.ShapeDtypeStruct((_N, _EMB), jnp.float32),
    ],
    scratch_shapes=[
        pltpu.VMEM((_BS, _EMB), jnp.float32),
        pltpu.VMEM((_BS, _EMB), jnp.float32),
        pltpu.SemaphoreType.DMA,
        pltpu.SemaphoreType.DMA,
    ],
    input_output_aliases={5: 0, 6: 1},
)


def kernel(vis_feat, text_feat, vis_memory, text_memory, idx, slct_idx):
    idx = idx.astype(jnp.int32)
    slct = slct_idx.astype(jnp.int32).at[:, 0].set(idx)
    slct_p = jnp.pad(slct, ((0, 0), (0, _KP - _K1)))
    vs32, tcopy = _scores_call(vis_feat, text_memory)
    gv = _sc_gather(vs32, slct_p)
    ts32, vcopy = _scores_call(text_feat, vis_memory)
    vis_out = _norm_call(gv)
    gt = _sc_gather(ts32, slct_p)
    text_out = _norm_call(gt)
    eq = idx[:, None] == idx[None, :]
    occ = jnp.where(eq, jnp.arange(_BS, dtype=jnp.int32)[None, :], -1)
    lastocc = occ.max(axis=1)
    fvsel = jnp.take(vis_feat, lastocc, axis=0)
    ftsel = jnp.take(text_feat, lastocc, axis=0)
    vmem_new, tmem_new = _scatter_call(
        idx, fvsel, ftsel, vis_memory, text_memory, vcopy, tcopy)
    return vis_out, text_out, vmem_new, tmem_new

# --- scband reference (transcript-rebuilt; emitter-appended) ---
"""Pipeline reference for scband-cpd-12498354831804 (READ-ONLY COPY).

The authoritative reference and input builder live on the scoring server;
editing this copy changes nothing except your own understanding.
"""

import jax, jax.numpy as jnp
import numpy as np

N_DATA = 100000
EMB = 128
K = 4096
T = 0.07
M = 0.5
BS = 128


def _l2norm(x):
    return x / jnp.clip(jnp.linalg.norm(x, axis=1, keepdims=True), 1e-12, None)


def setup_inputs(seed: int = 0) -> dict:
    key = jax.random.key(seed)
    k1, k2, k3, k4, k5, k6 = jax.random.split(key, 6)
    stdv = 1.0 / np.sqrt(EMB / 3.0)
    return {
        "vis_feat": jax.random.normal(k1, (BS, EMB), dtype=jnp.float32),
        "text_feat": jax.random.normal(k2, (BS, EMB), dtype=jnp.float32),
        "vis_memory": jax.random.uniform(k3, (N_DATA, EMB), dtype=jnp.float32) * (2.0 * stdv) - stdv,
        "text_memory": jax.random.uniform(k4, (N_DATA, EMB), dtype=jnp.float32) * (2.0 * stdv) - stdv,
        "idx": jax.random.randint(k5, (BS,), 0, N_DATA, dtype=jnp.int64) if jax.config.jax_enable_x64 else jax.random.randint(k5, (BS,), 0, N_DATA, dtype=jnp.int32),
        "slct_idx": jax.random.randint(k6, (BS, K + 1), 0, N_DATA, dtype=jnp.int64) if jax.config.jax_enable_x64 else jax.random.randint(k6, (BS, K + 1), 0, N_DATA, dtype=jnp.int32),
    }


def reference(vis_feat, text_feat, vis_memory, text_memory, idx, slct_idx):
    bs = vis_feat.shape[0]
    # encoder outputs are L2-normalized embeddings in the original module
    v = _l2norm(vis_feat)
    t = _l2norm(text_feat)
    # replace first negative slot with the positive index (slct_idx.select(1,0).copy_(idx))
    slct = slct_idx.at[:, 0].set(idx)
    flat = slct.reshape(-1)
    # gather K+1 memory rows per sample (detached in torch)
    text_feats = jax.lax.stop_gradient(jnp.take(text_memory, flat, axis=0)).reshape(bs, K + 1, EMB)
    vis_out = jnp.exp(jnp.einsum('bkd,bd->bk', text_feats, v) / T)
    vis_feats = jax.lax.stop_gradient(jnp.take(vis_memory, flat, axis=0)).reshape(bs, K + 1, EMB)
    text_out = jnp.exp(jnp.einsum('bkd,bd->bk', vis_feats, t) / T)
    # normalization constants (computed under no_grad, single-worker reduce is identity)
    Z_v = jax.lax.stop_gradient(vis_out.mean() * N_DATA)
    Z_t = jax.lax.stop_gradient(text_out.mean() * N_DATA)
    vis_out = vis_out / Z_v
    text_out = text_out / Z_t
    # memory bank momentum update + scatter-overwrite (index_copy_)
    vis_pos = jnp.take(vis_memory, idx, axis=0) * M + v * (1.0 - M)
    vis_memory_new = vis_memory.at[idx].set(_l2norm(vis_pos))
    text_pos = jnp.take(text_memory, idx, axis=0) * M + t * (1.0 - M)
    text_memory_new = text_memory.at[idx].set(_l2norm(text_pos))
    return vis_out, text_out, vis_memory_new, text_memory_new

if __name__ == "__main__":
    import jax
    _d = setup_inputs()
    print(jax.jit(kernel)(*tuple(_d.values())))

</pallas_src>

<mosaic_0001>
#map = affine_map<(d0, d1) -> (0, 0)>
module attributes {stable_mosaic.version = 14 : i64} {
  func.func @_sc_gather(%arg0: i32, %arg1: i32, %arg2: memref<64x100000xi32, #tpu.memory_space<hbm>>, %arg3: memref<128x4112xi32, #tpu.memory_space<hbm>>, %arg4: memref<128x4112xf32, #tpu.memory_space<hbm>>, %arg5: memref<100000xi32, #tpu.memory_space<vmem>>, %arg6: memref<4112xi32, #tpu.memory_space<vmem>>, %arg7: memref<4112xf32, #tpu.memory_space<vmem>>) attributes {dimension_semantics = [#tpu.dimension_semantics<core_parallel>, #tpu.dimension_semantics<subcore_parallel>], iteration_bounds = array<i64: 2, 16>, scalar_prefetch = 0 : i64, scratch_operands = 3 : i64, tpu.core_type = #tpu.core_type<sc_vector_subcore>, window_params = [{transform_indices = #map}, {transform_indices = #map}, {transform_indices = #map}]} {
    %mul3A = arith.constant 2 : i32
    %mul3A_0 = arith.muli %arg1, %mul3A : i32
    %add3A = arith.addi %mul3A_0, %arg0 : i32
    %mul3A_1 = arith.constant 2 : i32
    %mul3A_2 = arith.muli %add3A, %mul3A_1 : i32
    %add3A_3 = arith.constant 0 : i32
    %add3A_4 = arith.addi %mul3A_2, %add3A_3 : i32
    "tpu.region"() ({
      %run_scoped3A = tpu.sem_alloc : memref<!tpu.dma_semaphore, #tpu.memory_space<semaphore_mem>>
      %dma_start3A = arith.constant 0 : i32
      %dma_start3A_44 = tpu.memref_slice %arg2[%add3A_4, %dma_start3A] : memref<64x100000xi32, #tpu.memory_space<hbm>> -> memref<1x100000xi32, #tpu.memory_space<hbm>>
      %dma_start3A_45 = tpu.memref_squeeze %dma_start3A_44 : memref<1x100000xi32, #tpu.memory_space<hbm>> -> memref<100000xi32, #tpu.memory_space<hbm>>
      %dma_start3A_46 = arith.constant 0 : i32
      %dma_start3A_47 = tpu.memref_slice %arg2[%add3A_4, %dma_start3A_46] : memref<64x100000xi32, #tpu.memory_space<hbm>> -> memref<1x100000xi32, #tpu.memory_space<hbm>>
      %dma_start3A_48 = tpu.memref_squeeze %dma_start3A_47 : memref<1x100000xi32, #tpu.memory_space<hbm>> -> memref<100000xi32, #tpu.memory_space<hbm>>
      tpu.enqueue_dma source(%dma_start3A_48 : memref<100000xi32, #tpu.memory_space<hbm>>) target(%arg5 : memref<100000xi32, #tpu.memory_space<vmem>>) target_semaphore(%run_scoped3A : memref<!tpu.dma_semaphore, #tpu.memory_space<semaphore_mem>>)
      %dma_wait3A = arith.constant 0 : i32
      %dma_wait3A_49 = tpu.memref_slice %arg2[%add3A_4, %dma_wait3A] : memref<64x100000xi32, #tpu.memory_space<hbm>> -> memref<1x100000xi32, #tpu.memory_space<hbm>>
      %dma_wait3A_50 = tpu.memref_squeeze %dma_wait3A_49 : memref<1x100000xi32, #tpu.memory_space<hbm>> -> memref<100000xi32, #tpu.memory_space<hbm>>
      %dma_wait3A_51 = arith.constant 0 : i32
      %dma_wait3A_52 = tpu.memref_slice %arg2[%add3A_4, %dma_wait3A_51] : memref<64x100000xi32, #tpu.memory_space<hbm>> -> memref<1x100000xi32, #tpu.memory_space<hbm>>
      %dma_wait3A_53 = tpu.memref_squeeze %dma_wait3A_52 : memref<1x100000xi32, #tpu.memory_space<hbm>> -> memref<100000xi32, #tpu.memory_space<hbm>>
      tpu.wait_dma2 semaphore(%run_scoped3A : memref<!tpu.dma_semaphore, #tpu.memory_space<semaphore_mem>>) src(%dma_wait3A_53 : memref<100000xi32, #tpu.memory_space<hbm>>) dst(%arg5 : memref<100000xi32, #tpu.memory_space<vmem>>)
      tpu.yield
    }) : () -> ()
    %mul3A_5 = arith.constant 4 : i32
    %mul3A_6 = arith.muli %add3A, %mul3A_5 : i32
    %add3A_7 = arith.constant 0 : i32
    %add3A_8 = arith.addi %mul3A_6, %add3A_7 : i32
    %add3A_9 = arith.constant 0 : i32
    %add3A_10 = arith.addi %add3A_8, %add3A_9 : i32
    "tpu.region"() ({
      %run_scoped3A = tpu.sem_alloc : memref<!tpu.dma_semaphore, #tpu.memory_space<semaphore_mem>>
      %dma_start3A = arith.constant 0 : i32
      %dma_start3A_44 = tpu.memref_slice %arg3[%add3A_10, %dma_start3A] : memref<128x4112xi32, #tpu.memory_space<hbm>> -> memref<1x4112xi32, #tpu.memory_space<hbm>>
      %dma_start3A_45 = tpu.memref_squeeze %dma_start3A_44 : memref<1x4112xi32, #tpu.memory_space<hbm>> -> memref<4112xi32, #tpu.memory_space<hbm>>
      %dma_start3A_46 = arith.constant 0 : i32
      %dma_start3A_47 = tpu.memref_slice %arg3[%add3A_10, %dma_start3A_46] : memref<128x4112xi32, #tpu.memory_space<hbm>> -> memref<1x4112xi32, #tpu.memory_space<hbm>>
      %dma_start3A_48 = tpu.memref_squeeze %dma_start3A_47 : memref<1x4112xi32, #tpu.memory_space<hbm>> -> memref<4112xi32, #tpu.memory_space<hbm>>
      tpu.enqueue_dma source(%dma_start3A_48 : memref<4112xi32, #tpu.memory_space<hbm>>) target(%arg6 : memref<4112xi32, #tpu.memory_space<vmem>>) target_semaphore(%run_scoped3A : memref<!tpu.dma_semaphore, #tpu.memory_space<semaphore_mem>>)
      %dma_wait3A = arith.constant 0 : i32
      %dma_wait3A_49 = tpu.memref_slice %arg3[%add3A_10, %dma_wait3A] : memref<128x4112xi32, #tpu.memory_space<hbm>> -> memref<1x4112xi32, #tpu.memory_space<hbm>>
      %dma_wait3A_50 = tpu.memref_squeeze %dma_wait3A_49 : memref<1x4112xi32, #tpu.memory_space<hbm>> -> memref<4112xi32, #tpu.memory_space<hbm>>
      %dma_wait3A_51 = arith.constant 0 : i32
      %dma_wait3A_52 = tpu.memref_slice %arg3[%add3A_10, %dma_wait3A_51] : memref<128x4112xi32, #tpu.memory_space<hbm>> -> memref<1x4112xi32, #tpu.memory_space<hbm>>
      %dma_wait3A_53 = tpu.memref_squeeze %dma_wait3A_52 : memref<1x4112xi32, #tpu.memory_space<hbm>> -> memref<4112xi32, #tpu.memory_space<hbm>>
      tpu.wait_dma2 semaphore(%run_scoped3A : memref<!tpu.dma_semaphore, #tpu.memory_space<semaphore_mem>>) src(%dma_wait3A_53 : memref<4112xi32, #tpu.memory_space<hbm>>) dst(%arg6 : memref<4112xi32, #tpu.memory_space<vmem>>)
      tpu.yield
    }) : () -> ()
    %parallel_loop3A = arith.constant 0 : i32
    %parallel_loop3A_11 = arith.constant 257 : i32
    %parallel_loop3A_12 = arith.constant 1 : i32
    scf.for %parallel_loop3A_44 = %parallel_loop3A to %parallel_loop3A_11 step %parallel_loop3A_12  : i32 {
      %parallel_loop3A_45 = arith.constant 16 : i32
      %parallel_loop3A_46 = arith.muli %parallel_loop3A_44, %parallel_loop3A_45 : i32
      %parallel_loop3A_47 = tpu.assume_multiple %parallel_loop3A_46, 16 : i32
      %parallel_loop3A_48 = arith.index_cast %parallel_loop3A_47 : i32 to index
      %parallel_loop3A_49 = tpu.vector_load %arg6[%parallel_loop3A_48] {strides = array<i32>} : memref<4112xi32, #tpu.memory_space<vmem>>, vector<16xi32>,
      %parallel_loop3A_50 = tpu.vector_load_idx %arg5[%parallel_loop3A_49] : memref<100000xi32, #tpu.memory_space<vmem>>[vector<16xi32>], vector<16xi32>,
      %parallel_loop3A_51 = arith.constant 16 : i32
      %parallel_loop3A_52 = vector.broadcast %parallel_loop3A_51 : i32 to vector<16xi32>
      %parallel_loop3A_53 = arith.shli %parallel_loop3A_50, %parallel_loop3A_52 : vector<16xi32>
      %parallel_loop3A_54 = vector.bitcast %parallel_loop3A_53 : vector<16xi32> to vector<16xf32>
      %parallel_loop3A_55 = arith.index_cast %parallel_loop3A_47 : i32 to index
      %parallel_loop3A_56 = tpu.vector_load %arg7[%parallel_loop3A_55] {strides = array<i32>} : memref<4112xf32, #tpu.memory_space<vmem>>, vector<16xf32>,
      tpu.vector_store %arg7[%parallel_loop3A_55], %parallel_loop3A_54 {strides = array<i32>} : memref<4112xf32, #tpu.memory_space<vmem>>, vector<16xf32>,
    } {sc.loop_unroll_factor = 8 : i64, sc.parallel_access}
    "tpu.region"() ({
      %run_scoped3A = tpu.sem_alloc : memref<!tpu.dma_semaphore, #tpu.memory_space<semaphore_mem>>
      %dma_start3A = arith.constant 0 : i32
      %dma_start3A_44 = tpu.memref_slice %arg4[%add3A_10, %dma_start3A] : memref<128x4112xf32, #tpu.memory_space<hbm>> -> memref<1x4112xf32, #tpu.memory_space<hbm>>
      %dma_start3A_45 = tpu.memref_squeeze %dma_start3A_44 : memref<1x4112xf32, #tpu.memory_space<hbm>> -> memref<4112xf32, #tpu.memory_space<hbm>>
      %dma_start3A_46 = arith.constant 0 : i32
      %dma_start3A_47 = tpu.memref_slice %arg4[%add3A_10, %dma_start3A_46] : memref<128x4112xf32, #tpu.memory_space<hbm>> -> memref<1x4112xf32, #tpu.memory_space<hbm>>
      %dma_start3A_48 = tpu.memref_squeeze %dma_start3A_47 : memref<1x4112xf32, #tpu.memory_space<hbm>> -> memref<4112xf32, #tpu.memory_space<hbm>>
      tpu.enqueue_dma source(%arg7 : memref<4112xf32, #tpu.memory_space<vmem>>) target(%dma_start3A_48 : memref<4112xf32, #tpu.memory_space<hbm>>) target_semaphore(%run_scoped3A : memref<!tpu.dma_semaphore, #tpu.memory_space<semaphore_mem>>)
      %dma_wait3A = arith.constant 0 : i32
      %dma_wait3A_49 = tpu.memref_slice %arg4[%add3A_10, %dma_wait3A] : memref<128x4112xf32, #tpu.memory_space<hbm>> -> memref<1x4112xf32, #tpu.memory_space<hbm>>
      %dma_wait3A_50 = tpu.memref_squeeze %dma_wait3A_49 : memref<1x4112xf32, #tpu.memory_space<hbm>> -> memref<4112xf32, #tpu.memory_space<hbm>>
      %dma_wait3A_51 = arith.constant 0 : i32
      %dma_wait3A_52 = tpu.memref_slice %arg4[%add3A_10, %dma_wait3A_51] : memref<128x4112xf32, #tpu.memory_space<hbm>> -> memref<1x4112xf32, #tpu.memory_space<hbm>>
      %dma_wait3A_53 = tpu.memref_squeeze %dma_wait3A_52 : memref<1x4112xf32, #tpu.memory_space<hbm>> -> memref<4112xf32, #tpu.memory_space<hbm>>
      tpu.wait_dma2 semaphore(%run_scoped3A : memref<!tpu.dma_semaphore, #tpu.memory_space<semaphore_mem>>) src(%arg7 : memref<4112xf32, #tpu.memory_space<vmem>>) dst(%dma_wait3A_53 : memref<4112xf32, #tpu.memory_space<hbm>>)
      tpu.yield
    }) : () -> ()
    %mul3A_13 = arith.constant 4 : i32
    %mul3A_14 = arith.muli %add3A, %mul3A_13 : i32
    %add3A_15 = arith.constant 0 : i32
    %add3A_16 = arith.addi %mul3A_14, %add3A_15 : i32
    %add3A_17 = arith.constant 1 : i32
    %add3A_18 = arith.addi %add3A_16, %add3A_17 : i32
    "tpu.region"() ({
      %run_scoped3A = tpu.sem_alloc : memref<!tpu.dma_semaphore, #tpu.memory_space<semaphore_mem>>
      %dma_start3A = arith.constant 0 : i32
      %dma_start3A_44 = tpu.memref_slice %arg3[%add3A_18, %dma_start3A] : memref<128x4112xi32, #tpu.memory_space<hbm>> -> memref<1x4112xi32, #tpu.memory_space<hbm>>
      %dma_start3A_45 = tpu.memref_squeeze %dma_start3A_44 : memref<1x4112xi32, #tpu.memory_space<hbm>> -> memref<4112xi32, #tpu.memory_space<hbm>>
      %dma_start3A_46 = arith.constant 0 : i32
      %dma_start3A_47 = tpu.memref_slice %arg3[%add3A_18, %dma_start3A_46] : memref<128x4112xi32, #tpu.memory_space<hbm>> -> memref<1x4112xi32, #tpu.memory_space<hbm>>
      %dma_start3A_48 = tpu.memref_squeeze %dma_start3A_47 : memref<1x4112xi32, #tpu.memory_space<hbm>> -> memref<4112xi32, #tpu.memory_space<hbm>>
      tpu.enqueue_dma source(%dma_start3A_48 : memref<4112xi32, #tpu.memory_space<hbm>>) target(%arg6 : memref<4112xi32, #tpu.memory_space<vmem>>) target_semaphore(%run_scoped3A : memref<!tpu.dma_semaphore, #tpu.memory_space<semaphore_mem>>)
      %dma_wait3A = arith.constant 0 : i32
      %dma_wait3A_49 = tpu.memref_slice %arg3[%add3A_18, %dma_wait3A] : memref<128x4112xi32, #tpu.memory_space<hbm>> -> memref<1x4112xi32, #tpu.memory_space<hbm>>
      %dma_wait3A_50 = tpu.memref_squeeze %dma_wait3A_49 : memref<1x4112xi32, #tpu.memory_space<hbm>> -> memref<4112xi32, #tpu.memory_space<hbm>>
      %dma_wait3A_51 = arith.constant 0 : i32
      %dma_wait3A_52 = tpu.memref_slice %arg3[%add3A_18, %dma_wait3A_51] : memref<128x4112xi32, #tpu.memory_space<hbm>> -> memref<1x4112xi32, #tpu.memory_space<hbm>>
      %dma_wait3A_53 = tpu.memref_squeeze %dma_wait3A_52 : memref<1x4112xi32, #tpu.memory_space<hbm>> -> memref<4112xi32, #tpu.memory_space<hbm>>
      tpu.wait_dma2 semaphore(%run_scoped3A : memref<!tpu.dma_semaphore, #tpu.memory_space<semaphore_mem>>) src(%dma_wait3A_53 : memref<4112xi32, #tpu.memory_space<hbm>>) dst(%arg6 : memref<4112xi32, #tpu.memory_space<vmem>>)
      tpu.yield
    }) : () -> ()
    %parallel_loop3A_19 = arith.constant 0 : i32
    %parallel_loop3A_20 = arith.constant 257 : i32
    %parallel_loop3A_21 = arith.constant 1 : i32
    scf.for %parallel_loop3A_44 = %parallel_loop3A_19 to %parallel_loop3A_20 step %parallel_loop3A_21  : i32 {
      %parallel_loop3A_45 = arith.constant 16 : i32
      %parallel_loop3A_46 = arith.muli %parallel_loop3A_44, %parallel_loop3A_45 : i32
      %parallel_loop3A_47 = tpu.assume_multiple %parallel_loop3A_46, 16 : i32
      %parallel_loop3A_48 = arith.index_cast %parallel_loop3A_47 : i32 to index
      %parallel_loop3A_49 = tpu.vector_load %arg6[%parallel_loop3A_48] {strides = array<i32>} : memref<4112xi32, #tpu.memory_space<vmem>>, vector<16xi32>,
      %parallel_loop3A_50 = tpu.vector_load_idx %arg5[%parallel_loop3A_49] : memref<100000xi32, #tpu.memory_space<vmem>>[vector<16xi32>], vector<16xi32>,
      %parallel_loop3A_51 = arith.constant -65536 : i32
      %parallel_loop3A_52 = vector.broadcast %parallel_loop3A_51 : i32 to vector<16xi32>
      %parallel_loop3A_53 = arith.andi %parallel_loop3A_50, %parallel_loop3A_52 : vector<16xi32>
      %parallel_loop3A_54 = vector.bitcast %parallel_loop3A_53 : vector<16xi32> to vector<16xf32>
      %parallel_loop3A_55 = arith.index_cast %parallel_loop3A_47 : i32 to index
      %parallel_loop3A_56 = tpu.vector_load %arg7[%parallel_loop3A_55] {strides = array<i32>} : memref<4112xf32, #tpu.memory_space<vmem>>, vector<16xf32>,
      tpu.vector_store %arg7[%parallel_loop3A_55], %parallel_loop3A_54 {strides = array<i32>} : memref<4112xf32, #tpu.memory_space<vmem>>, vector<16xf32>,
    } {sc.loop_unroll_factor = 8 : i64, sc.parallel_access}
    "tpu.region"() ({
      %run_scoped3A = tpu.sem_alloc : memref<!tpu.dma_semaphore, #tpu.memory_space<semaphore_mem>>
      %dma_start3A = arith.constant 0 : i32
      %dma_start3A_44 = tpu.memref_slice %arg4[%add3A_18, %dma_start3A] : memref<128x4112xf32, #tpu.memory_space<hbm>> -> memref<1x4112xf32, #tpu.memory_space<hbm>>
      %dma_start3A_45 = tpu.memref_squeeze %dma_start3A_44 : memref<1x4112xf32, #tpu.memory_space<hbm>> -> memref<4112xf32, #tpu.memory_space<hbm>>
      %dma_start3A_46 = arith.constant 0 : i32
      %dma_start3A_47 = tpu.memref_slice %arg4[%add3A_18, %dma_start3A_46] : memref<128x4112xf32, #tpu.memory_space<hbm>> -> memref<1x4112xf32, #tpu.memory_space<hbm>>
      %dma_start3A_48 = tpu.memref_squeeze %dma_start3A_47 : memref<1x4112xf32, #tpu.memory_space<hbm>> -> memref<4112xf32, #tpu.memory_space<hbm>>
      tpu.enqueue_dma source(%arg7 : memref<4112xf32, #tpu.memory_space<vmem>>) target(%dma_start3A_48 : memref<4112xf32, #tpu.memory_space<hbm>>) target_semaphore(%run_scoped3A : memref<!tpu.dma_semaphore, #tpu.memory_space<semaphore_mem>>)
      %dma_wait3A = arith.constant 0 : i32
      %dma_wait3A_49 = tpu.memref_slice %arg4[%add3A_18, %dma_wait3A] : memref<128x4112xf32, #tpu.memory_space<hbm>> -> memref<1x4112xf32, #tpu.memory_space<hbm>>
      %dma_wait3A_50 = tpu.memref_squeeze %dma_wait3A_49 : memref<1x4112xf32, #tpu.memory_space<hbm>> -> memref<4112xf32, #tpu.memory_space<hbm>>
      %dma_wait3A_51 = arith.constant 0 : i32
      %dma_wait3A_52 = tpu.memref_slice %arg4[%add3A_18, %dma_wait3A_51] : memref<128x4112xf32, #tpu.memory_space<hbm>> -> memref<1x4112xf32, #tpu.memory_space<hbm>>
      %dma_wait3A_53 = tpu.memref_squeeze %dma_wait3A_52 : memref<1x4112xf32, #tpu.memory_space<hbm>> -> memref<4112xf32, #tpu.memory_space<hbm>>
      tpu.wait_dma2 semaphore(%run_scoped3A : memref<!tpu.dma_semaphore, #tpu.memory_space<semaphore_mem>>) src(%arg7 : memref<4112xf32, #tpu.memory_space<vmem>>) dst(%dma_wait3A_53 : memref<4112xf32, #tpu.memory_space<hbm>>)
      tpu.yield
    }) : () -> ()
    %mul3A_22 = arith.constant 2 : i32
    %mul3A_23 = arith.muli %add3A, %mul3A_22 : i32
    %add3A_24 = arith.constant 1 : i32
    %add3A_25 = arith.addi %mul3A_23, %add3A_24 : i32
    "tpu.region"() ({
      %run_scoped3A = tpu.sem_alloc : memref<!tpu.dma_semaphore, #tpu.memory_space<semaphore_mem>>
      %dma_start3A = arith.constant 0 : i32
      %dma_start3A_44 = tpu.memref_slice %arg2[%add3A_25, %dma_start3A] : memref<64x100000xi32, #tpu.memory_space<hbm>> -> memref<1x100000xi32, #tpu.memory_space<hbm>>
      %dma_start3A_45 = tpu.memref_squeeze %dma_start3A_44 : memref<1x100000xi32, #tpu.memory_space<hbm>> -> memref<100000xi32, #tpu.memory_space<hbm>>
      %dma_start3A_46 = arith.constant 0 : i32
      %dma_start3A_47 = tpu.memref_slice %arg2[%add3A_25, %dma_start3A_46] : memref<64x100000xi32, #tpu.memory_space<hbm>> -> memref<1x100000xi32, #tpu.memory_space<hbm>>
      %dma_start3A_48 = tpu.memref_squeeze %dma_start3A_47 : memref<1x100000xi32, #tpu.memory_space<hbm>> -> memref<100000xi32, #tpu.memory_space<hbm>>
      tpu.enqueue_dma source(%dma_start3A_48 : memref<100000xi32, #tpu.memory_space<hbm>>) target(%arg5 : memref<100000xi32, #tpu.memory_space<vmem>>) target_semaphore(%run_scoped3A : memref<!tpu.dma_semaphore, #tpu.memory_space<semaphore_mem>>)
      %dma_wait3A = arith.constant 0 : i32
      %dma_wait3A_49 = tpu.memref_slice %arg2[%add3A_25, %dma_wait3A] : memref<64x100000xi32, #tpu.memory_space<hbm>> -> memref<1x100000xi32, #tpu.memory_space<hbm>>
      %dma_wait3A_50 = tpu.memref_squeeze %dma_wait3A_49 : memref<1x100000xi32, #tpu.memory_space<hbm>> -> memref<100000xi32, #tpu.memory_space<hbm>>
      %dma_wait3A_51 = arith.constant 0 : i32
      %dma_wait3A_52 = tpu.memref_slice %arg2[%add3A_25, %dma_wait3A_51] : memref<64x100000xi32, #tpu.memory_space<hbm>> -> memref<1x100000xi32, #tpu.memory_space<hbm>>
      %dma_wait3A_53 = tpu.memref_squeeze %dma_wait3A_52 : memref<1x100000xi32, #tpu.memory_space<hbm>> -> memref<100000xi32, #tpu.memory_space<hbm>>
      tpu.wait_dma2 semaphore(%run_scoped3A : memref<!tpu.dma_semaphore, #tpu.memory_space<semaphore_mem>>) src(%dma_wait3A_53 : memref<100000xi32, #tpu.memory_space<hbm>>) dst(%arg5 : memref<100000xi32, #tpu.memory_space<vmem>>)
      tpu.yield
    }) : () -> ()
    %mul3A_26 = arith.constant 4 : i32
    %mul3A_27 = arith.muli %add3A, %mul3A_26 : i32
    %add3A_28 = arith.constant 2 : i32
    %add3A_29 = arith.addi %mul3A_27, %add3A_28 : i32
    %add3A_30 = arith.constant 0 : i32
    %add3A_31 = arith.addi %add3A_29, %add3A_30 : i32
    "tpu.region"() ({
      %run_scoped3A = tpu.sem_alloc : memref<!tpu.dma_semaphore, #tpu.memory_space<semaphore_mem>>
      %dma_start3A = arith.constant 0 : i32
      %dma_start3A_44 = tpu.memref_slice %arg3[%add3A_31, %dma_start3A] : memref<128x4112xi32, #tpu.memory_space<hbm>> -> memref<1x4112xi32, #tpu.memory_space<hbm>>
      %dma_start3A_45 = tpu.memref_squeeze %dma_start3A_44 : memref<1x4112xi32, #tpu.memory_space<hbm>> -> memref<4112xi32, #tpu.memory_space<hbm>>
      %dma_start3A_46 = arith.constant 0 : i32
      %dma_start3A_47 = tpu.memref_slice %arg3[%add3A_31, %dma_start3A_46] : memref<128x4112xi32, #tpu.memory_space<hbm>> -> memref<1x4112xi32, #tpu.memory_space<hbm>>
      %dma_start3A_48 = tpu.memref_squeeze %dma_start3A_47 : memref<1x4112xi32, #tpu.memory_space<hbm>> -> memref<4112xi32, #tpu.memory_space<hbm>>
      tpu.enqueue_dma source(%dma_start3A_48 : memref<4112xi32, #tpu.memory_space<hbm>>) target(%arg6 : memref<4112xi32, #tpu.memory_space<vmem>>) target_semaphore(%run_scoped3A : memref<!tpu.dma_semaphore, #tpu.memory_space<semaphore_mem>>)
      %dma_wait3A = arith.constant 0 : i32
      %dma_wait3A_49 = tpu.memref_slice %arg3[%add3A_31, %dma_wait3A] : memref<128x4112xi32, #tpu.memory_space<hbm>> -> memref<1x4112xi32, #tpu.memory_space<hbm>>
      %dma_wait3A_50 = tpu.memref_squeeze %dma_wait3A_49 : memref<1x4112xi32, #tpu.memory_space<hbm>> -> memref<4112xi32, #tpu.memory_space<hbm>>
      %dma_wait3A_51 = arith.constant 0 : i32
      %dma_wait3A_52 = tpu.memref_slice %arg3[%add3A_31, %dma_wait3A_51] : memref<128x4112xi32, #tpu.memory_space<hbm>> -> memref<1x4112xi32, #tpu.memory_space<hbm>>
      %dma_wait3A_53 = tpu.memref_squeeze %dma_wait3A_52 : memref<1x4112xi32, #tpu.memory_space<hbm>> -> memref<4112xi32, #tpu.memory_space<hbm>>
      tpu.wait_dma2 semaphore(%run_scoped3A : memref<!tpu.dma_semaphore, #tpu.memory_space<semaphore_mem>>) src(%dma_wait3A_53 : memref<4112xi32, #tpu.memory_space<hbm>>) dst(%arg6 : memref<4112xi32, #tpu.memory_space<vmem>>)
      tpu.yield
    }) : () -> ()
    %parallel_loop3A_32 = arith.constant 0 : i32
    %parallel_loop3A_33 = arith.constant 257 : i32
    %parallel_loop3A_34 = arith.constant 1 : i32
    scf.for %parallel_loop3A_44 = %parallel_loop3A_32 to %parallel_loop3A_33 step %parallel_loop3A_34  : i32 {
      %parallel_loop3A_45 = arith.constant 16 : i32
      %parallel_loop3A_46 = arith.muli %parallel_loop3A_44, %parallel_loop3A_45 : i32
      %parallel_loop3A_47 = tpu.assume_multiple %parallel_loop3A_46, 16 : i32
      %parallel_loop3A_48 = arith.index_cast %parallel_loop3A_47 : i32 to index
      %parallel_loop3A_49 = tpu.vector_load %arg6[%parallel_loop3A_48] {strides = array<i32>} : memref<4112xi32, #tpu.memory_space<vmem>>, vector<16xi32>,
      %parallel_loop3A_50 = tpu.vector_load_idx %arg5[%parallel_loop3A_49] : memref<100000xi32, #tpu.memory_space<vmem>>[vector<16xi32>], vector<16xi32>,
      %parallel_loop3A_51 = arith.constant 16 : i32
      %parallel_loop3A_52 = vector.broadcast %parallel_loop3A_51 : i32 to vector<16xi32>
      %parallel_loop3A_53 = arith.shli %parallel_loop3A_50, %parallel_loop3A_52 : vector<16xi32>
      %parallel_loop3A_54 = vector.bitcast %parallel_loop3A_53 : vector<16xi32> to vector<16xf32>
      %parallel_loop3A_55 = arith.index_cast %parallel_loop3A_47 : i32 to index
      %parallel_loop3A_56 = tpu.vector_load %arg7[%parallel_loop3A_55] {strides = array<i32>} : memref<4112xf32, #tpu.memory_space<vmem>>, vector<16xf32>,
      tpu.vector_store %arg7[%parallel_loop3A_55], %parallel_loop3A_54 {strides = array<i32>} : memref<4112xf32, #tpu.memory_space<vmem>>, vector<16xf32>,
    } {sc.loop_unroll_factor = 8 : i64, sc.parallel_access}
    "tpu.region"() ({
      %run_scoped3A = tpu.sem_alloc : memref<!tpu.dma_semaphore, #tpu.memory_space<semaphore_mem>>
      %dma_start3A = arith.constant 0 : i32
      %dma_start3A_44 = tpu.memref_slice %arg4[%add3A_31, %dma_start3A] : memref<128x4112xf32, #tpu.memory_space<hbm>> -> memref<1x4112xf32, #tpu.memory_space<hbm>>
      %dma_start3A_45 = tpu.memref_squeeze %dma_start3A_44 : memref<1x4112xf32, #tpu.memory_space<hbm>> -> memref<4112xf32, #tpu.memory_space<hbm>>
      %dma_start3A_46 = arith.constant 0 : i32
      %dma_start3A_47 = tpu.memref_slice %arg4[%add3A_31, %dma_start3A_46] : memref<128x4112xf32, #tpu.memory_space<hbm>> -> memref<1x4112xf32, #tpu.memory_space<hbm>>
      %dma_start3A_48 = tpu.memref_squeeze %dma_start3A_47 : memref<1x4112xf32, #tpu.memory_space<hbm>> -> memref<4112xf32, #tpu.memory_space<hbm>>
      tpu.enqueue_dma source(%arg7 : memref<4112xf32, #tpu.memory_space<vmem>>) target(%dma_start3A_48 : memref<4112xf32, #tpu.memory_space<hbm>>) target_semaphore(%run_scoped3A : memref<!tpu.dma_semaphore, #tpu.memory_space<semaphore_mem>>)
      %dma_wait3A = arith.constant 0 : i32
      %dma_wait3A_49 = tpu.memref_slice %arg4[%add3A_31, %dma_wait3A] : memref<128x4112xf32, #tpu.memory_space<hbm>> -> memref<1x4112xf32, #tpu.memory_space<hbm>>
      %dma_wait3A_50 = tpu.memref_squeeze %dma_wait3A_49 : memref<1x4112xf32, #tpu.memory_space<hbm>> -> memref<4112xf32, #tpu.memory_space<hbm>>
      %dma_wait3A_51 = arith.constant 0 : i32
      %dma_wait3A_52 = tpu.memref_slice %arg4[%add3A_31, %dma_wait3A_51] : memref<128x4112xf32, #tpu.memory_space<hbm>> -> memref<1x4112xf32, #tpu.memory_space<hbm>>
      %dma_wait3A_53 = tpu.memref_squeeze %dma_wait3A_52 : memref<1x4112xf32, #tpu.memory_space<hbm>> -> memref<4112xf32, #tpu.memory_space<hbm>>
      tpu.wait_dma2 semaphore(%run_scoped3A : memref<!tpu.dma_semaphore, #tpu.memory_space<semaphore_mem>>) src(%arg7 : memref<4112xf32, #tpu.memory_space<vmem>>) dst(%dma_wait3A_53 : memref<4112xf32, #tpu.memory_space<hbm>>)
      tpu.yield
    }) : () -> ()
    %mul3A_35 = arith.constant 4 : i32
    %mul3A_36 = arith.muli %add3A, %mul3A_35 : i32
    %add3A_37 = arith.constant 2 : i32
    %add3A_38 = arith.addi %mul3A_36, %add3A_37 : i32
    %add3A_39 = arith.constant 1 : i32
    %add3A_40 = arith.addi %add3A_38, %add3A_39 : i32
    "tpu.region"() ({
      %run_scoped3A = tpu.sem_alloc : memref<!tpu.dma_semaphore, #tpu.memory_space<semaphore_mem>>
      %dma_start3A = arith.constant 0 : i32
      %dma_start3A_44 = tpu.memref_slice %arg3[%add3A_40, %dma_start3A] : memref<128x4112xi32, #tpu.memory_space<hbm>> -> memref<1x4112xi32, #tpu.memory_space<hbm>>
      %dma_start3A_45 = tpu.memref_squeeze %dma_start3A_44 : memref<1x4112xi32, #tpu.memory_space<hbm>> -> memref<4112xi32, #tpu.memory_space<hbm>>
      %dma_start3A_46 = arith.constant 0 : i32
      %dma_start3A_47 = tpu.memref_slice %arg3[%add3A_40, %dma_start3A_46] : memref<128x4112xi32, #tpu.memory_space<hbm>> -> memref<1x4112xi32, #tpu.memory_space<hbm>>
      %dma_start3A_48 = tpu.memref_squeeze %dma_start3A_47 : memref<1x4112xi32, #tpu.memory_space<hbm>> -> memref<4112xi32, #tpu.memory_space<hbm>>
      tpu.enqueue_dma source(%dma_start3A_48 : memref<4112xi32, #tpu.memory_space<hbm>>) target(%arg6 : memref<4112xi32, #tpu.memory_space<vmem>>) target_semaphore(%run_scoped3A : memref<!tpu.dma_semaphore, #tpu.memory_space<semaphore_mem>>)
      %dma_wait3A = arith.constant 0 : i32
      %dma_wait3A_49 = tpu.memref_slice %arg3[%add3A_40, %dma_wait3A] : memref<128x4112xi32, #tpu.memory_space<hbm>> -> memref<1x4112xi32, #tpu.memory_space<hbm>>
      %dma_wait3A_50 = tpu.memref_squeeze %dma_wait3A_49 : memref<1x4112xi32, #tpu.memory_space<hbm>> -> memref<4112xi32, #tpu.memory_space<hbm>>
      %dma_wait3A_51 = arith.constant 0 : i32
      %dma_wait3A_52 = tpu.memref_slice %arg3[%add3A_40, %dma_wait3A_51] : memref<128x4112xi32, #tpu.memory_space<hbm>> -> memref<1x4112xi32, #tpu.memory_space<hbm>>
      %dma_wait3A_53 = tpu.memref_squeeze %dma_wait3A_52 : memref<1x4112xi32, #tpu.memory_space<hbm>> -> memref<4112xi32, #tpu.memory_space<hbm>>
      tpu.wait_dma2 semaphore(%run_scoped3A : memref<!tpu.dma_semaphore, #tpu.memory_space<semaphore_mem>>) src(%dma_wait3A_53 : memref<4112xi32, #tpu.memory_space<hbm>>) dst(%arg6 : memref<4112xi32, #tpu.memory_space<vmem>>)
      tpu.yield
    }) : () -> ()
    %parallel_loop3A_41 = arith.constant 0 : i32
    %parallel_loop3A_42 = arith.constant 257 : i32
    %parallel_loop3A_43 = arith.constant 1 : i32
    scf.for %parallel_loop3A_44 = %parallel_loop3A_41 to %parallel_loop3A_42 step %parallel_loop3A_43  : i32 {
      %parallel_loop3A_45 = arith.constant 16 : i32
      %parallel_loop3A_46 = arith.muli %parallel_loop3A_44, %parallel_loop3A_45 : i32
      %parallel_loop3A_47 = tpu.assume_multiple %parallel_loop3A_46, 16 : i32
      %parallel_loop3A_48 = arith.index_cast %parallel_loop3A_47 : i32 to index
      %parallel_loop3A_49 = tpu.vector_load %arg6[%parallel_loop3A_48] {strides = array<i32>} : memref<4112xi32, #tpu.memory_space<vmem>>, vector<16xi32>,
      %parallel_loop3A_50 = tpu.vector_load_idx %arg5[%parallel_loop3A_49] : memref<100000xi32, #tpu.memory_space<vmem>>[vector<16xi32>], vector<16xi32>,
      %parallel_loop3A_51 = arith.constant -65536 : i32
      %parallel_loop3A_52 = vector.broadcast %parallel_loop3A_51 : i32 to vector<16xi32>
      %parallel_loop3A_53 = arith.andi %parallel_loop3A_50, %parallel_loop3A_52 : vector<16xi32>
      %parallel_loop3A_54 = vector.bitcast %parallel_loop3A_53 : vector<16xi32> to vector<16xf32>
      %parallel_loop3A_55 = arith.index_cast %parallel_loop3A_47 : i32 to index
      %parallel_loop3A_56 = tpu.vector_load %arg7[%parallel_loop3A_55] {strides = array<i32>} : memref<4112xf32, #tpu.memory_space<vmem>>, vector<16xf32>,
      tpu.vector_store %arg7[%parallel_loop3A_55], %parallel_loop3A_54 {strides = array<i32>} : memref<4112xf32, #tpu.memory_space<vmem>>, vector<16xf32>,
    } {sc.loop_unroll_factor = 8 : i64, sc.parallel_access}
    "tpu.region"() ({
      %run_scoped3A = tpu.sem_alloc : memref<!tpu.dma_semaphore, #tpu.memory_space<semaphore_mem>>
      %dma_start3A = arith.constant 0 : i32
      %dma_start3A_44 = tpu.memref_slice %arg4[%add3A_40, %dma_start3A] : memref<128x4112xf32, #tpu.memory_space<hbm>> -> memref<1x4112xf32, #tpu.memory_space<hbm>>
      %dma_start3A_45 = tpu.memref_squeeze %dma_start3A_44 : memref<1x4112xf32, #tpu.memory_space<hbm>> -> memref<4112xf32, #tpu.memory_space<hbm>>
      %dma_start3A_46 = arith.constant 0 : i32
      %dma_start3A_47 = tpu.memref_slice %arg4[%add3A_40, %dma_start3A_46] : memref<128x4112xf32, #tpu.memory_space<hbm>> -> memref<1x4112xf32, #tpu.memory_space<hbm>>
      %dma_start3A_48 = tpu.memref_squeeze %dma_start3A_47 : memref<1x4112xf32, #tpu.memory_space<hbm>> -> memref<4112xf32, #tpu.memory_space<hbm>>
      tpu.enqueue_dma source(%arg7 : memref<4112xf32, #tpu.memory_space<vmem>>) target(%dma_start3A_48 : memref<4112xf32, #tpu.memory_space<hbm>>) target_semaphore(%run_scoped3A : memref<!tpu.dma_semaphore, #tpu.memory_space<semaphore_mem>>)
      %dma_wait3A = arith.constant 0 : i32
      %dma_wait3A_49 = tpu.memref_slice %arg4[%add3A_40, %dma_wait3A] : memref<128x4112xf32, #tpu.memory_space<hbm>> -> memref<1x4112xf32, #tpu.memory_space<hbm>>
      %dma_wait3A_50 = tpu.memref_squeeze %dma_wait3A_49 : memref<1x4112xf32, #tpu.memory_space<hbm>> -> memref<4112xf32, #tpu.memory_space<hbm>>
      %dma_wait3A_51 = arith.constant 0 : i32
      %dma_wait3A_52 = tpu.memref_slice %arg4[%add3A_40, %dma_wait3A_51] : memref<128x4112xf32, #tpu.memory_space<hbm>> -> memref<1x4112xf32, #tpu.memory_space<hbm>>
      %dma_wait3A_53 = tpu.memref_squeeze %dma_wait3A_52 : memref<1x4112xf32, #tpu.memory_space<hbm>> -> memref<4112xf32, #tpu.memory_space<hbm>>
      tpu.wait_dma2 semaphore(%run_scoped3A : memref<!tpu.dma_semaphore, #tpu.memory_space<semaphore_mem>>) src(%arg7 : memref<4112xf32, #tpu.memory_space<vmem>>) dst(%dma_wait3A_53 : memref<4112xf32, #tpu.memory_space<hbm>>)
      tpu.yield
    }) : () -> ()
    return
  }
}

#map = affine_map<(d0, d1) -> (0, 0)>
module attributes {stable_mosaic.version = 14 : i64} {
  func.func @_sc_gather(%arg0: i32, %arg1: i32, %arg2: memref<64x100000xi32, #tpu.memory_space<hbm>>, %arg3: memref<128x4112xi32, #tpu.memory_space<hbm>>, %arg4: memref<128x4112xf32, #tpu.memory_space<hbm>>, %arg5: memref<100000xi32, #tpu.memory_space<vmem>>, %arg6: memref<4112xi32, #tpu.memory_space<vmem>>, %arg7: memref<4112xf32, #tpu.memory_space<vmem>>) attributes {dimension_semantics = [#tpu.dimension_semantics<core_parallel>, #tpu.dimension_semantics<subcore_parallel>], iteration_bounds = array<i64: 2, 16>, scalar_prefetch = 0 : i64, scratch_operands = 3 : i64, tpu.core_type = #tpu.core_type<sc_vector_subcore>, window_params = [{transform_indices = #map}, {transform_indices = #map}, {transform_indices = #map}]} {
    %mul3A = arith.constant 2 : i32
    %mul3A_0 = arith.muli %arg1, %mul3A : i32
    %add3A = arith.addi %mul3A_0, %arg0 : i32
    %mul3A_1 = arith.constant 2 : i32
    %mul3A_2 = arith.muli %add3A, %mul3A_1 : i32
    %add3A_3 = arith.constant 0 : i32
    %add3A_4 = arith.addi %mul3A_2, %add3A_3 : i32
    "tpu.region"() ({
      %run_scoped3A = tpu.sem_alloc : memref<!tpu.dma_semaphore, #tpu.memory_space<semaphore_mem>>
      %dma_start3A = arith.constant 0 : i32
      %dma_start3A_44 = tpu.memref_slice %arg2[%add3A_4, %dma_start3A] : memref<64x100000xi32, #tpu.memory_space<hbm>> -> memref<1x100000xi32, #tpu.memory_space<hbm>>
      %dma_start3A_45 = tpu.memref_squeeze %dma_start3A_44 : memref<1x100000xi32, #tpu.memory_space<hbm>> -> memref<100000xi32, #tpu.memory_space<hbm>>
      %dma_start3A_46 = arith.constant 0 : i32
      %dma_start3A_47 = tpu.memref_slice %arg2[%add3A_4, %dma_start3A_46] : memref<64x100000xi32, #tpu.memory_space<hbm>> -> memref<1x100000xi32, #tpu.memory_space<hbm>>
      %dma_start3A_48 = tpu.memref_squeeze %dma_start3A_47 : memref<1x100000xi32, #tpu.memory_space<hbm>> -> memref<100000xi32, #tpu.memory_space<hbm>>
      tpu.enqueue_dma source(%dma_start3A_48 : memref<100000xi32, #tpu.memory_space<hbm>>) target(%arg5 : memref<100000xi32, #tpu.memory_space<vmem>>) target_semaphore(%run_scoped3A : memref<!tpu.dma_semaphore, #tpu.memory_space<semaphore_mem>>)
      %dma_wait3A = arith.constant 0 : i32
      %dma_wait3A_49 = tpu.memref_slice %arg2[%add3A_4, %dma_wait3A] : memref<64x100000xi32, #tpu.memory_space<hbm>> -> memref<1x100000xi32, #tpu.memory_space<hbm>>
      %dma_wait3A_50 = tpu.memref_squeeze %dma_wait3A_49 : memref<1x100000xi32, #tpu.memory_space<hbm>> -> memref<100000xi32, #tpu.memory_space<hbm>>
      %dma_wait3A_51 = arith.constant 0 : i32
      %dma_wait3A_52 = tpu.memref_slice %arg2[%add3A_4, %dma_wait3A_51] : memref<64x100000xi32, #tpu.memory_space<hbm>> -> memref<1x100000xi32, #tpu.memory_space<hbm>>
      %dma_wait3A_53 = tpu.memref_squeeze %dma_wait3A_52 : memref<1x100000xi32, #tpu.memory_space<hbm>> -> memref<100000xi32, #tpu.memory_space<hbm>>
      tpu.wait_dma2 semaphore(%run_scoped3A : memref<!tpu.dma_semaphore, #tpu.memory_space<semaphore_mem>>) src(%dma_wait3A_53 : memref<100000xi32, #tpu.memory_space<hbm>>) dst(%arg5 : memref<100000xi32, #tpu.memory_space<vmem>>)
      tpu.yield
    }) : () -> ()
    %mul3A_5 = arith.constant 4 : i32
    %mul3A_6 = arith.muli %add3A, %mul3A_5 : i32
    %add3A_7 = arith.constant 0 : i32
    %add3A_8 = arith.addi %mul3A_6, %add3A_7 : i32
    %add3A_9 = arith.constant 0 : i32
    %add3A_10 = arith.addi %add3A_8, %add3A_9 : i32
    "tpu.region"() ({
      %run_scoped3A = tpu.sem_alloc : memref<!tpu.dma_semaphore, #tpu.memory_space<semaphore_mem>>
      %dma_start3A = arith.constant 0 : i32
      %dma_start3A_44 = tpu.memref_slice %arg3[%add3A_10, %dma_start3A] : memref<128x4112xi32, #tpu.memory_space<hbm>> -> memref<1x4112xi32, #tpu.memory_space<hbm>>
      %dma_start3A_45 = tpu.memref_squeeze %dma_start3A_44 : memref<1x4112xi32, #tpu.memory_space<hbm>> -> memref<4112xi32, #tpu.memory_space<hbm>>
      %dma_start3A_46 = arith.constant 0 : i32
      %dma_start3A_47 = tpu.memref_slice %arg3[%add3A_10, %dma_start3A_46] : memref<128x4112xi32, #tpu.memory_space<hbm>> -> memref<1x4112xi32, #tpu.memory_space<hbm>>
      %dma_start3A_48 = tpu.memref_squeeze %dma_start3A_47 : memref<1x4112xi32, #tpu.memory_space<hbm>> -> memref<4112xi32, #tpu.memory_space<hbm>>
      tpu.enqueue_dma source(%dma_start3A_48 : memref<4112xi32, #tpu.memory_space<hbm>>) target(%arg6 : memref<4112xi32, #tpu.memory_space<vmem>>) target_semaphore(%run_scoped3A : memref<!tpu.dma_semaphore, #tpu.memory_space<semaphore_mem>>)
      %dma_wait3A = arith.constant 0 : i32
      %dma_wait3A_49 = tpu.memref_slice %arg3[%add3A_10, %dma_wait3A] : memref<128x4112xi32, #tpu.memory_space<hbm>> -> memref<1x4112xi32, #tpu.memory_space<hbm>>
      %dma_wait3A_50 = tpu.memref_squeeze %dma_wait3A_49 : memref<1x4112xi32, #tpu.memory_space<hbm>> -> memref<4112xi32, #tpu.memory_space<hbm>>
      %dma_wait3A_51 = arith.constant 0 : i32
      %dma_wait3A_52 = tpu.memref_slice %arg3[%add3A_10, %dma_wait3A_51] : memref<128x4112xi32, #tpu.memory_space<hbm>> -> memref<1x4112xi32, #tpu.memory_space<hbm>>
      %dma_wait3A_53 = tpu.memref_squeeze %dma_wait3A_52 : memref<1x4112xi32, #tpu.memory_space<hbm>> -> memref<4112xi32, #tpu.memory_space<hbm>>
      tpu.wait_dma2 semaphore(%run_scoped3A : memref<!tpu.dma_semaphore, #tpu.memory_space<semaphore_mem>>) src(%dma_wait3A_53 : memref<4112xi32, #tpu.memory_space<hbm>>) dst(%arg6 : memref<4112xi32, #tpu.memory_space<vmem>>)
      tpu.yield
    }) : () -> ()
    %parallel_loop3A = arith.constant 0 : i32
    %parallel_loop3A_11 = arith.constant 257 : i32
    %parallel_loop3A_12 = arith.constant 1 : i32
    scf.for %parallel_loop3A_44 = %parallel_loop3A to %parallel_loop3A_11 step %parallel_loop3A_12  : i32 {
      %parallel_loop3A_45 = arith.constant 16 : i32
      %parallel_loop3A_46 = arith.muli %parallel_loop3A_44, %parallel_loop3A_45 : i32
      %parallel_loop3A_47 = tpu.assume_multiple %parallel_loop3A_46, 16 : i32
      %parallel_loop3A_48 = arith.index_cast %parallel_loop3A_47 : i32 to index
      %parallel_loop3A_49 = tpu.vector_load %arg6[%parallel_loop3A_48] {strides = array<i32>} : memref<4112xi32, #tpu.memory_space<vmem>>, vector<16xi32>,
      %parallel_loop3A_50 = tpu.vector_load_idx %arg5[%parallel_loop3A_49] : memref<100000xi32, #tpu.memory_space<vmem>>[vector<16xi32>], vector<16xi32>,
      %parallel_loop3A_51 = arith.constant 16 : i32
      %parallel_loop3A_52 = vector.broadcast %parallel_loop3A_51 : i32 to vector<16xi32>
      %parallel_loop3A_53 = arith.shli %parallel_loop3A_50, %parallel_loop3A_52 : vector<16xi32>
      %parallel_loop3A_54 = vector.bitcast %parallel_loop3A_53 : vector<16xi32> to vector<16xf32>
      %parallel_loop3A_55 = arith.index_cast %parallel_loop3A_47 : i32 to index
      %parallel_loop3A_56 = tpu.vector_load %arg7[%parallel_loop3A_55] {strides = array<i32>} : memref<4112xf32, #tpu.memory_space<vmem>>, vector<16xf32>,
      tpu.vector_store %arg7[%parallel_loop3A_55], %parallel_loop3A_54 {strides = array<i32>} : memref<4112xf32, #tpu.memory_space<vmem>>, vector<16xf32>,
    } {sc.loop_unroll_factor = 8 : i64, sc.parallel_access}
    "tpu.region"() ({
      %run_scoped3A = tpu.sem_alloc : memref<!tpu.dma_semaphore, #tpu.memory_space<semaphore_mem>>
      %dma_start3A = arith.constant 0 : i32
      %dma_start3A_44 = tpu.memref_slice %arg4[%add3A_10, %dma_start3A] : memref<128x4112xf32, #tpu.memory_space<hbm>> -> memref<1x4112xf32, #tpu.memory_space<hbm>>
      %dma_start3A_45 = tpu.memref_squeeze %dma_start3A_44 : memref<1x4112xf32, #tpu.memory_space<hbm>> -> memref<4112xf32, #tpu.memory_space<hbm>>
      %dma_start3A_46 = arith.constant 0 : i32
      %dma_start3A_47 = tpu.memref_slice %arg4[%add3A_10, %dma_start3A_46] : memref<128x4112xf32, #tpu.memory_space<hbm>> -> memref<1x4112xf32, #tpu.memory_space<hbm>>
      %dma_start3A_48 = tpu.memref_squeeze %dma_start3A_47 : memref<1x4112xf32, #tpu.memory_space<hbm>> -> memref<4112xf32, #tpu.memory_space<hbm>>
      tpu.enqueue_dma source(%arg7 : memref<4112xf32, #tpu.memory_space<vmem>>) target(%dma_start3A_48 : memref<4112xf32, #tpu.memory_space<hbm>>) target_semaphore(%run_scoped3A : memref<!tpu.dma_semaphore, #tpu.memory_space<semaphore_mem>>)
      %dma_wait3A = arith.constant 0 : i32
      %dma_wait3A_49 = tpu.memref_slice %arg4[%add3A_10, %dma_wait3A] : memref<128x4112xf32, #tpu.memory_space<hbm>> -> memref<1x4112xf32, #tpu.memory_space<hbm>>
      %dma_wait3A_50 = tpu.memref_squeeze %dma_wait3A_49 : memref<1x4112xf32, #tpu.memory_space<hbm>> -> memref<4112xf32, #tpu.memory_space<hbm>>
      %dma_wait3A_51 = arith.constant 0 : i32
      %dma_wait3A_52 = tpu.memref_slice %arg4[%add3A_10, %dma_wait3A_51] : memref<128x4112xf32, #tpu.memory_space<hbm>> -> memref<1x4112xf32, #tpu.memory_space<hbm>>
      %dma_wait3A_53 = tpu.memref_squeeze %dma_wait3A_52 : memref<1x4112xf32, #tpu.memory_space<hbm>> -> memref<4112xf32, #tpu.memory_space<hbm>>
      tpu.wait_dma2 semaphore(%run_scoped3A : memref<!tpu.dma_semaphore, #tpu.memory_space<semaphore_mem>>) src(%arg7 : memref<4112xf32, #tpu.memory_space<vmem>>) dst(%dma_wait3A_53 : memref<4112xf32, #tpu.memory_space<hbm>>)
      tpu.yield
    }) : () -> ()
    %mul3A_13 = arith.constant 4 : i32
    %mul3A_14 = arith.muli %add3A, %mul3A_13 : i32
    %add3A_15 = arith.constant 0 : i32
    %add3A_16 = arith.addi %mul3A_14, %add3A_15 : i32
    %add3A_17 = arith.constant 1 : i32
    %add3A_18 = arith.addi %add3A_16, %add3A_17 : i32
    "tpu.region"() ({
      %run_scoped3A = tpu.sem_alloc : memref<!tpu.dma_semaphore, #tpu.memory_space<semaphore_mem>>
      %dma_start3A = arith.constant 0 : i32
      %dma_start3A_44 = tpu.memref_slice %arg3[%add3A_18, %dma_start3A] : memref<128x4112xi32, #tpu.memory_space<hbm>> -> memref<1x4112xi32, #tpu.memory_space<hbm>>
      %dma_start3A_45 = tpu.memref_squeeze %dma_start3A_44 : memref<1x4112xi32, #tpu.memory_space<hbm>> -> memref<4112xi32, #tpu.memory_space<hbm>>
      %dma_start3A_46 = arith.constant 0 : i32
      %dma_start3A_47 = tpu.memref_slice %arg3[%add3A_18, %dma_start3A_46] : memref<128x4112xi32, #tpu.memory_space<hbm>> -> memref<1x4112xi32, #tpu.memory_space<hbm>>
      %dma_start3A_48 = tpu.memref_squeeze %dma_start3A_47 : memref<1x4112xi32, #tpu.memory_space<hbm>> -> memref<4112xi32, #tpu.memory_space<hbm>>
      tpu.enqueue_dma source(%dma_start3A_48 : memref<4112xi32, #tpu.memory_space<hbm>>) target(%arg6 : memref<4112xi32, #tpu.memory_space<vmem>>) target_semaphore(%run_scoped3A : memref<!tpu.dma_semaphore, #tpu.memory_space<semaphore_mem>>)
      %dma_wait3A = arith.constant 0 : i32
      %dma_wait3A_49 = tpu.memref_slice %arg3[%add3A_18, %dma_wait3A] : memref<128x4112xi32, #tpu.memory_space<hbm>> -> memref<1x4112xi32, #tpu.memory_space<hbm>>
      %dma_wait3A_50 = tpu.memref_squeeze %dma_wait3A_49 : memref<1x4112xi32, #tpu.memory_space<hbm>> -> memref<4112xi32, #tpu.memory_space<hbm>>
      %dma_wait3A_51 = arith.constant 0 : i32
      %dma_wait3A_52 = tpu.memref_slice %arg3[%add3A_18, %dma_wait3A_51] : memref<128x4112xi32, #tpu.memory_space<hbm>> -> memref<1x4112xi32, #tpu.memory_space<hbm>>
      %dma_wait3A_53 = tpu.memref_squeeze %dma_wait3A_52 : memref<1x4112xi32, #tpu.memory_space<hbm>> -> memref<4112xi32, #tpu.memory_space<hbm>>
      tpu.wait_dma2 semaphore(%run_scoped3A : memref<!tpu.dma_semaphore, #tpu.memory_space<semaphore_mem>>) src(%dma_wait3A_53 : memref<4112xi32, #tpu.memory_space<hbm>>) dst(%arg6 : memref<4112xi32, #tpu.memory_space<vmem>>)
      tpu.yield
    }) : () -> ()
    %parallel_loop3A_19 = arith.constant 0 : i32
    %parallel_loop3A_20 = arith.constant 257 : i32
    %parallel_loop3A_21 = arith.constant 1 : i32
    scf.for %parallel_loop3A_44 = %parallel_loop3A_19 to %parallel_loop3A_20 step %parallel_loop3A_21  : i32 {
      %parallel_loop3A_45 = arith.constant 16 : i32
      %parallel_loop3A_46 = arith.muli %parallel_loop3A_44, %parallel_loop3A_45 : i32
      %parallel_loop3A_47 = tpu.assume_multiple %parallel_loop3A_46, 16 : i32
      %parallel_loop3A_48 = arith.index_cast %parallel_loop3A_47 : i32 to index
      %parallel_loop3A_49 = tpu.vector_load %arg6[%parallel_loop3A_48] {strides = array<i32>} : memref<4112xi32, #tpu.memory_space<vmem>>, vector<16xi32>,
      %parallel_loop3A_50 = tpu.vector_load_idx %arg5[%parallel_loop3A_49] : memref<100000xi32, #tpu.memory_space<vmem>>[vector<16xi32>], vector<16xi32>,
      %parallel_loop3A_51 = arith.constant -65536 : i32
      %parallel_loop3A_52 = vector.broadcast %parallel_loop3A_51 : i32 to vector<16xi32>
      %parallel_loop3A_53 = arith.andi %parallel_loop3A_50, %parallel_loop3A_52 : vector<16xi32>
      %parallel_loop3A_54 = vector.bitcast %parallel_loop3A_53 : vector<16xi32> to vector<16xf32>
      %parallel_loop3A_55 = arith.index_cast %parallel_loop3A_47 : i32 to index
      %parallel_loop3A_56 = tpu.vector_load %arg7[%parallel_loop3A_55] {strides = array<i32>} : memref<4112xf32, #tpu.memory_space<vmem>>, vector<16xf32>,
      tpu.vector_store %arg7[%parallel_loop3A_55], %parallel_loop3A_54 {strides = array<i32>} : memref<4112xf32, #tpu.memory_space<vmem>>, vector<16xf32>,
    } {sc.loop_unroll_factor = 8 : i64, sc.parallel_access}
    "tpu.region"() ({
      %run_scoped3A = tpu.sem_alloc : memref<!tpu.dma_semaphore, #tpu.memory_space<semaphore_mem>>
      %dma_start3A = arith.constant 0 : i32
      %dma_start3A_44 = tpu.memref_slice %arg4[%add3A_18, %dma_start3A] : memref<128x4112xf32, #tpu.memory_space<hbm>> -> memref<1x4112xf32, #tpu.memory_space<hbm>>
      %dma_start3A_45 = tpu.memref_squeeze %dma_start3A_44 : memref<1x4112xf32, #tpu.memory_space<hbm>> -> memref<4112xf32, #tpu.memory_space<hbm>>
      %dma_start3A_46 = arith.constant 0 : i32
      %dma_start3A_47 = tpu.memref_slice %arg4[%add3A_18, %dma_start3A_46] : memref<128x4112xf32, #tpu.memory_space<hbm>> -> memref<1x4112xf32, #tpu.memory_space<hbm>>
      %dma_start3A_48 = tpu.memref_squeeze %dma_start3A_47 : memref<1x4112xf32, #tpu.memory_space<hbm>> -> memref<4112xf32, #tpu.memory_space<hbm>>
      tpu.enqueue_dma source(%arg7 : memref<4112xf32, #tpu.memory_space<vmem>>) target(%dma_start3A_48 : memref<4112xf32, #tpu.memory_space<hbm>>) target_semaphore(%run_scoped3A : memref<!tpu.dma_semaphore, #tpu.memory_space<semaphore_mem>>)
      %dma_wait3A = arith.constant 0 : i32
      %dma_wait3A_49 = tpu.memref_slice %arg4[%add3A_18, %dma_wait3A] : memref<128x4112xf32, #tpu.memory_space<hbm>> -> memref<1x4112xf32, #tpu.memory_space<hbm>>
      %dma_wait3A_50 = tpu.memref_squeeze %dma_wait3A_49 : memref<1x4112xf32, #tpu.memory_space<hbm>> -> memref<4112xf32, #tpu.memory_space<hbm>>
      %dma_wait3A_51 = arith.constant 0 : i32
      %dma_wait3A_52 = tpu.memref_slice %arg4[%add3A_18, %dma_wait3A_51] : memref<128x4112xf32, #tpu.memory_space<hbm>> -> memref<1x4112xf32, #tpu.memory_space<hbm>>
      %dma_wait3A_53 = tpu.memref_squeeze %dma_wait3A_52 : memref<1x4112xf32, #tpu.memory_space<hbm>> -> memref<4112xf32, #tpu.memory_space<hbm>>
      tpu.wait_dma2 semaphore(%run_scoped3A : memref<!tpu.dma_semaphore, #tpu.memory_space<semaphore_mem>>) src(%arg7 : memref<4112xf32, #tpu.memory_space<vmem>>) dst(%dma_wait3A_53 : memref<4112xf32, #tpu.memory_space<hbm>>)
      tpu.yield
    }) : () -> ()
    %mul3A_22 = arith.constant 2 : i32
    %mul3A_23 = arith.muli %add3A, %mul3A_22 : i32
    %add3A_24 = arith.constant 1 : i32
    %add3A_25 = arith.addi %mul3A_23, %add3A_24 : i32
    "tpu.region"() ({
      %run_scoped3A = tpu.sem_alloc : memref<!tpu.dma_semaphore, #tpu.memory_space<semaphore_mem>>
      %dma_start3A = arith.constant 0 : i32
      %dma_start3A_44 = tpu.memref_slice %arg2[%add3A_25, %dma_start3A] : memref<64x100000xi32, #tpu.memory_space<hbm>> -> memref<1x100000xi32, #tpu.memory_space<hbm>>
      %dma_start3A_45 = tpu.memref_squeeze %dma_start3A_44 : memref<1x100000xi32, #tpu.memory_space<hbm>> -> memref<100000xi32, #tpu.memory_space<hbm>>
      %dma_start3A_46 = arith.constant 0 : i32
      %dma_start3A_47 = tpu.memref_slice %arg2[%add3A_25, %dma_start3A_46] : memref<64x100000xi32, #tpu.memory_space<hbm>> -> memref<1x100000xi32, #tpu.memory_space<hbm>>
      %dma_start3A_48 = tpu.memref_squeeze %dma_start3A_47 : memref<1x100000xi32, #tpu.memory_space<hbm>> -> memref<100000xi32, #tpu.memory_space<hbm>>
      tpu.enqueue_dma source(%dma_start3A_48 : memref<100000xi32, #tpu.memory_space<hbm>>) target(%arg5 : memref<100000xi32, #tpu.memory_space<vmem>>) target_semaphore(%run_scoped3A : memref<!tpu.dma_semaphore, #tpu.memory_space<semaphore_mem>>)
      %dma_wait3A = arith.constant 0 : i32
      %dma_wait3A_49 = tpu.memref_slice %arg2[%add3A_25, %dma_wait3A] : memref<64x100000xi32, #tpu.memory_space<hbm>> -> memref<1x100000xi32, #tpu.memory_space<hbm>>
      %dma_wait3A_50 = tpu.memref_squeeze %dma_wait3A_49 : memref<1x100000xi32, #tpu.memory_space<hbm>> -> memref<100000xi32, #tpu.memory_space<hbm>>
      %dma_wait3A_51 = arith.constant 0 : i32
      %dma_wait3A_52 = tpu.memref_slice %arg2[%add3A_25, %dma_wait3A_51] : memref<64x100000xi32, #tpu.memory_space<hbm>> -> memref<1x100000xi32, #tpu.memory_space<hbm>>
      %dma_wait3A_53 = tpu.memref_squeeze %dma_wait3A_52 : memref<1x100000xi32, #tpu.memory_space<hbm>> -> memref<100000xi32, #tpu.memory_space<hbm>>
      tpu.wait_dma2 semaphore(%run_scoped3A : memref<!tpu.dma_semaphore, #tpu.memory_space<semaphore_mem>>) src(%dma_wait3A_53 : memref<100000xi32, #tpu.memory_space<hbm>>) dst(%arg5 : memref<100000xi32, #tpu.memory_space<vmem>>)
      tpu.yield
    }) : () -> ()
    %mul3A_26 = arith.constant 4 : i32
    %mul3A_27 = arith.muli %add3A, %mul3A_26 : i32
    %add3A_28 = arith.constant 2 : i32
    %add3A_29 = arith.addi %mul3A_27, %add3A_28 : i32
    %add3A_30 = arith.constant 0 : i32
    %add3A_31 = arith.addi %add3A_29, %add3A_30 : i32
    "tpu.region"() ({
      %run_scoped3A = tpu.sem_alloc : memref<!tpu.dma_semaphore, #tpu.memory_space<semaphore_mem>>
      %dma_start3A = arith.constant 0 : i32
      %dma_start3A_44 = tpu.memref_slice %arg3[%add3A_31, %dma_start3A] : memref<128x4112xi32, #tpu.memory_space<hbm>> -> memref<1x4112xi32, #tpu.memory_space<hbm>>
      %dma_start3A_45 = tpu.memref_squeeze %dma_start3A_44 : memref<1x4112xi32, #tpu.memory_space<hbm>> -> memref<4112xi32, #tpu.memory_space<hbm>>
      %dma_start3A_46 = arith.constant 0 : i32
      %dma_start3A_47 = tpu.memref_slice %arg3[%add3A_31, %dma_start3A_46] : memref<128x4112xi32, #tpu.memory_space<hbm>> -> memref<1x4112xi32, #tpu.memory_space<hbm>>
      %dma_start3A_48 = tpu.memref_squeeze %dma_start3A_47 : memref<1x4112xi32, #tpu.memory_space<hbm>> -> memref<4112xi32, #tpu.memory_space<hbm>>
      tpu.enqueue_dma source(%dma_start3A_48 : memref<4112xi32, #tpu.memory_space<hbm>>) target(%arg6 : memref<4112xi32, #tpu.memory_space<vmem>>) target_semaphore(%run_scoped3A : memref<!tpu.dma_semaphore, #tpu.memory_space<semaphore_mem>>)
      %dma_wait3A = arith.constant 0 : i32
      %dma_wait3A_49 = tpu.memref_slice %arg3[%add3A_31, %dma_wait3A] : memref<128x4112xi32, #tpu.memory_space<hbm>> -> memref<1x4112xi32, #tpu.memory_space<hbm>>
      %dma_wait3A_50 = tpu.memref_squeeze %dma_wait3A_49 : memref<1x4112xi32, #tpu.memory_space<hbm>> -> memref<4112xi32, #tpu.memory_space<hbm>>
      %dma_wait3A_51 = arith.constant 0 : i32
      %dma_wait3A_52 = tpu.memref_slice %arg3[%add3A_31, %dma_wait3A_51] : memref<128x4112xi32, #tpu.memory_space<hbm>> -> memref<1x4112xi32, #tpu.memory_space<hbm>>
      %dma_wait3A_53 = tpu.memref_squeeze %dma_wait3A_52 : memref<1x4112xi32, #tpu.memory_space<hbm>> -> memref<4112xi32, #tpu.memory_space<hbm>>
      tpu.wait_dma2 semaphore(%run_scoped3A : memref<!tpu.dma_semaphore, #tpu.memory_space<semaphore_mem>>) src(%dma_wait3A_53 : memref<4112xi32, #tpu.memory_space<hbm>>) dst(%arg6 : memref<4112xi32, #tpu.memory_space<vmem>>)
      tpu.yield
    }) : () -> ()
    %parallel_loop3A_32 = arith.constant 0 : i32
    %parallel_loop3A_33 = arith.constant 257 : i32
    %parallel_loop3A_34 = arith.constant 1 : i32
    scf.for %parallel_loop3A_44 = %parallel_loop3A_32 to %parallel_loop3A_33 step %parallel_loop3A_34  : i32 {
      %parallel_loop3A_45 = arith.constant 16 : i32
      %parallel_loop3A_46 = arith.muli %parallel_loop3A_44, %parallel_loop3A_45 : i32
      %parallel_loop3A_47 = tpu.assume_multiple %parallel_loop3A_46, 16 : i32
      %parallel_loop3A_48 = arith.index_cast %parallel_loop3A_47 : i32 to index
      %parallel_loop3A_49 = tpu.vector_load %arg6[%parallel_loop3A_48] {strides = array<i32>} : memref<4112xi32, #tpu.memory_space<vmem>>, vector<16xi32>,
      %parallel_loop3A_50 = tpu.vector_load_idx %arg5[%parallel_loop3A_49] : memref<100000xi32, #tpu.memory_space<vmem>>[vector<16xi32>], vector<16xi32>,
      %parallel_loop3A_51 = arith.constant 16 : i32
      %parallel_loop3A_52 = vector.broadcast %parallel_loop3A_51 : i32 to vector<16xi32>
      %parallel_loop3A_53 = arith.shli %parallel_loop3A_50, %parallel_loop3A_52 : vector<16xi32>
      %parallel_loop3A_54 = vector.bitcast %parallel_loop3A_53 : vector<16xi32> to vector<16xf32>
      %parallel_loop3A_55 = arith.index_cast %parallel_loop3A_47 : i32 to index
      %parallel_loop3A_56 = tpu.vector_load %arg7[%parallel_loop3A_55] {strides = array<i32>} : memref<4112xf32, #tpu.memory_space<vmem>>, vector<16xf32>,
      tpu.vector_store %arg7[%parallel_loop3A_55], %parallel_loop3A_54 {strides = array<i32>} : memref<4112xf32, #tpu.memory_space<vmem>>, vector<16xf32>,
    } {sc.loop_unroll_factor = 8 : i64, sc.parallel_access}
    "tpu.region"() ({
      %run_scoped3A = tpu.sem_alloc : memref<!tpu.dma_semaphore, #tpu.memory_space<semaphore_mem>>
      %dma_start3A = arith.constant 0 : i32
      %dma_start3A_44 = tpu.memref_slice %arg4[%add3A_31, %dma_start3A] : memref<128x4112xf32, #tpu.memory_space<hbm>> -> memref<1x4112xf32, #tpu.memory_space<hbm>>
      %dma_start3A_45 = tpu.memref_squeeze %dma_start3A_44 : memref<1x4112xf32, #tpu.memory_space<hbm>> -> memref<4112xf32, #tpu.memory_space<hbm>>
      %dma_start3A_46 = arith.constant 0 : i32
      %dma_start3A_47 = tpu.memref_slice %arg4[%add3A_31, %dma_start3A_46] : memref<128x4112xf32, #tpu.memory_space<hbm>> -> memref<1x4112xf32, #tpu.memory_space<hbm>>
      %dma_start3A_48 = tpu.memref_squeeze %dma_start3A_47 : memref<1x4112xf32, #tpu.memory_space<hbm>> -> memref<4112xf32, #tpu.memory_space<hbm>>
      tpu.enqueue_dma source(%arg7 : memref<4112xf32, #tpu.memory_space<vmem>>) target(%dma_start3A_48 : memref<4112xf32, #tpu.memory_space<hbm>>) target_semaphore(%run_scoped3A : memref<!tpu.dma_semaphore, #tpu.memory_space<semaphore_mem>>)
      %dma_wait3A = arith.constant 0 : i32
      %dma_wait3A_49 = tpu.memref_slice %arg4[%add3A_31, %dma_wait3A] : memref<128x4112xf32, #tpu.memory_space<hbm>> -> memref<1x4112xf32, #tpu.memory_space<hbm>>
      %dma_wait3A_50 = tpu.memref_squeeze %dma_wait3A_49 : memref<1x4112xf32, #tpu.memory_space<hbm>> -> memref<4112xf32, #tpu.memory_space<hbm>>
      %dma_wait3A_51 = arith.constant 0 : i32
      %dma_wait3A_52 = tpu.memref_slice %arg4[%add3A_31, %dma_wait3A_51] : memref<128x4112xf32, #tpu.memory_space<hbm>> -> memref<1x4112xf32, #tpu.memory_space<hbm>>
      %dma_wait3A_53 = tpu.memref_squeeze %dma_wait3A_52 : memref<1x4112xf32, #tpu.memory_space<hbm>> -> memref<4112xf32, #tpu.memory_space<hbm>>
      tpu.wait_dma2 semaphore(%run_scoped3A : memref<!tpu.dma_semaphore, #tpu.memory_space<semaphore_mem>>) src(%arg7 : memref<4112xf32, #tpu.memory_space<vmem>>) dst(%dma_wait3A_53 : memref<4112xf32, #tpu.memory_space<hbm>>)
      tpu.yield
    }) : () -> ()
    %mul3A_35 = arith.constant 4 : i32
    %mul3A_36 = arith.muli %add3A, %mul3A_35 : i32
    %add3A_37 = arith.constant 2 : i32
    %add3A_38 = arith.addi %mul3A_36, %add3A_37 : i32
    %add3A_39 = arith.constant 1 : i32
    %add3A_40 = arith.addi %add3A_38, %add3A_39 : i32
    "tpu.region"() ({
      %run_scoped3A = tpu.sem_alloc : memref<!tpu.dma_semaphore, #tpu.memory_space<semaphore_mem>>
      %dma_start3A = arith.constant 0 : i32
      %dma_start3A_44 = tpu.memref_slice %arg3[%add3A_40, %dma_start3A] : memref<128x4112xi32, #tpu.memory_space<hbm>> -> memref<1x4112xi32, #tpu.memory_space<hbm>>
      %dma_start3A_45 = tpu.memref_squeeze %dma_start3A_44 : memref<1x4112xi32, #tpu.memory_space<hbm>> -> memref<4112xi32, #tpu.memory_space<hbm>>
      %dma_start3A_46 = arith.constant 0 : i32
      %dma_start3A_47 = tpu.memref_slice %arg3[%add3A_40, %dma_start3A_46] : memref<128x4112xi32, #tpu.memory_space<hbm>> -> memref<1x4112xi32, #tpu.memory_space<hbm>>
      %dma_start3A_48 = tpu.memref_squeeze %dma_start3A_47 : memref<1x4112xi32, #tpu.memory_space<hbm>> -> memref<4112xi32, #tpu.memory_space<hbm>>
      tpu.enqueue_dma source(%dma_start3A_48 : memref<4112xi32, #tpu.memory_space<hbm>>) target(%arg6 : memref<4112xi32, #tpu.memory_space<vmem>>) target_semaphore(%run_scoped3A : memref<!tpu.dma_semaphore, #tpu.memory_space<semaphore_mem>>)
      %dma_wait3A = arith.constant 0 : i32
      %dma_wait3A_49 = tpu.memref_slice %arg3[%add3A_40, %dma_wait3A] : memref<128x4112xi32, #tpu.memory_space<hbm>> -> memref<1x4112xi32, #tpu.memory_space<hbm>>
      %dma_wait3A_50 = tpu.memref_squeeze %dma_wait3A_49 : memref<1x4112xi32, #tpu.memory_space<hbm>> -> memref<4112xi32, #tpu.memory_space<hbm>>
      %dma_wait3A_51 = arith.constant 0 : i32
      %dma_wait3A_52 = tpu.memref_slice %arg3[%add3A_40, %dma_wait3A_51] : memref<128x4112xi32, #tpu.memory_space<hbm>> -> memref<1x4112xi32, #tpu.memory_space<hbm>>
      %dma_wait3A_53 = tpu.memref_squeeze %dma_wait3A_52 : memref<1x4112xi32, #tpu.memory_space<hbm>> -> memref<4112xi32, #tpu.memory_space<hbm>>
      tpu.wait_dma2 semaphore(%run_scoped3A : memref<!tpu.dma_semaphore, #tpu.memory_space<semaphore_mem>>) src(%dma_wait3A_53 : memref<4112xi32, #tpu.memory_space<hbm>>) dst(%arg6 : memref<4112xi32, #tpu.memory_space<vmem>>)
      tpu.yield
    }) : () -> ()
    %parallel_loop3A_41 = arith.constant 0 : i32
    %parallel_loop3A_42 = arith.constant 257 : i32
    %parallel_loop3A_43 = arith.constant 1 : i32
    scf.for %parallel_loop3A_44 = %parallel_loop3A_41 to %parallel_loop3A_42 step %parallel_loop3A_43  : i32 {
      %parallel_loop3A_45 = arith.constant 16 : i32
      %parallel_loop3A_46 = arith.muli %parallel_loop3A_44, %parallel_loop3A_45 : i32
      %parallel_loop3A_47 = tpu.assume_multiple %parallel_loop3A_46, 16 : i32
      %parallel_loop3A_48 = arith.index_cast %parallel_loop3A_47 : i32 to index
      %parallel_loop3A_49 = tpu.vector_load %arg6[%parallel_loop3A_48] {strides = array<i32>} : memref<4112xi32, #tpu.memory_space<vmem>>, vector<16xi32>,
      %parallel_loop3A_50 = tpu.vector_load_idx %arg5[%parallel_loop3A_49] : memref<100000xi32, #tpu.memory_space<vmem>>[vector<16xi32>], vector<16xi32>,
      %parallel_loop3A_51 = arith.constant -65536 : i32
      %parallel_loop3A_52 = vector.broadcast %parallel_loop3A_51 : i32 to vector<16xi32>
      %parallel_loop3A_53 = arith.andi %parallel_loop3A_50, %parallel_loop3A_52 : vector<16xi32>
      %parallel_loop3A_54 = vector.bitcast %parallel_loop3A_53 : vector<16xi32> to vector<16xf32>
      %parallel_loop3A_55 = arith.index_cast %parallel_loop3A_47 : i32 to index
      %parallel_loop3A_56 = tpu.vector_load %arg7[%parallel_loop3A_55] {strides = array<i32>} : memref<4112xf32, #tpu.memory_space<vmem>>, vector<16xf32>,
      tpu.vector_store %arg7[%parallel_loop3A_55], %parallel_loop3A_54 {strides = array<i32>} : memref<4112xf32, #tpu.memory_space<vmem>>, vector<16xf32>,
    } {sc.loop_unroll_factor = 8 : i64, sc.parallel_access}
    "tpu.region"() ({
      %run_scoped3A = tpu.sem_alloc : memref<!tpu.dma_semaphore, #tpu.memory_space<semaphore_mem>>
      %dma_start3A = arith.constant 0 : i32
      %dma_start3A_44 = tpu.memref_slice %arg4[%add3A_40, %dma_start3A] : memref<128x4112xf32, #tpu.memory_space<hbm>> -> memref<1x4112xf32, #tpu.memory_space<hbm>>
      %dma_start3A_45 = tpu.memref_squeeze %dma_start3A_44 : memref<1x4112xf32, #tpu.memory_space<hbm>> -> memref<4112xf32, #tpu.memory_space<hbm>>
      %dma_start3A_46 = arith.constant 0 : i32
      %dma_start3A_47 = tpu.memref_slice %arg4[%add3A_40, %dma_start3A_46] : memref<128x4112xf32, #tpu.memory_space<hbm>> -> memref<1x4112xf32, #tpu.memory_space<hbm>>
      %dma_start3A_48 = tpu.memref_squeeze %dma_start3A_47 : memref<1x4112xf32, #tpu.memory_space<hbm>> -> memref<4112xf32, #tpu.memory_space<hbm>>
      tpu.enqueue_dma source(%arg7 : memref<4112xf32, #tpu.memory_space<vmem>>) target(%dma_start3A_48 : memref<4112xf32, #tpu.memory_space<hbm>>) target_semaphore(%run_scoped3A : memref<!tpu.dma_semaphore, #tpu.memory_space<semaphore_mem>>)
      %dma_wait3A = arith.constant 0 : i32
      %dma_wait3A_49 = tpu.memref_slice %arg4[%add3A_40, %dma_wait3A] : memref<128x4112xf32, #tpu.memory_space<hbm>> -> memref<1x4112xf32, #tpu.memory_space<hbm>>
      %dma_wait3A_50 = tpu.memref_squeeze %dma_wait3A_49 : memref<1x4112xf32, #tpu.memory_space<hbm>> -> memref<4112xf32, #tpu.memory_space<hbm>>
      %dma_wait3A_51 = arith.constant 0 : i32
      %dma_wait3A_52 = tpu.memref_slice %arg4[%add3A_40, %dma_wait3A_51] : memref<128x4112xf32, #tpu.memory_space<hbm>> -> memref<1x4112xf32, #tpu.memory_space<hbm>>
      %dma_wait3A_53 = tpu.memref_squeeze %dma_wait3A_52 : memref<1x4112xf32, #tpu.memory_space<hbm>> -> memref<4112xf32, #tpu.memory_space<hbm>>
      tpu.wait_dma2 semaphore(%run_scoped3A : memref<!tpu.dma_semaphore, #tpu.memory_space<semaphore_mem>>) src(%arg7 : memref<4112xf32, #tpu.memory_space<vmem>>) dst(%dma_wait3A_53 : memref<4112xf32, #tpu.memory_space<hbm>>)
      tpu.yield
    }) : () -> ()
    return
  }
}

module attributes {stable_mosaic.version = 14 : i64} {
  func.func @_tc_scores_body(%arg0: i32, %arg1: memref<128x128xf32, #tpu.memory_space<vmem>>, %arg2: memref<4096x128xf32, #tpu.memory_space<vmem>>, %arg3: memref<64x4096xi32, #tpu.memory_space<vmem>>, %arg4: memref<4096x128xf32, #tpu.memory_space<vmem>>) attributes {dimension_semantics = [#tpu.dimension_semantics<arbitrary>], iteration_bounds = array<i64: 25>, scalar_prefetch = 0 : i64, scratch_operands = 0 : i64, tpu.core_type = #tpu.core_type<tc>, window_params = [{pipeline_mode = #tpu.pipeline_mode<synchronous>, transform_indices = @transform_0, window_bounds = array<i64: 128, 128>}, {transform_indices = @transform_1, window_bounds = array<i64: 4096, 128>}, {transform_indices = @transform_2, window_bounds = array<i64: 64, 4096>}, {transform_indices = @transform_3, window_bounds = array<i64: 4096, 128>}]} {
    %get3A = arith.constant 0 : index
    %get3A_0 = arith.constant 0 : index
    %get3A_1 = vector.load %arg1[%get3A, %get3A_0] : memref<128x128xf32, #tpu.memory_space<vmem>>, vector<128x128xf32>
    %mul3A = arith.mulf %get3A_1, %get3A_1 : vector<128x128xf32>
    %reduce_sum3A = arith.constant dense<0.000000e+00> : vector<128xf32>
    %reduce_sum3A_2 = vector.multi_reduction <add>, %mul3A, %reduce_sum3A [1] : vector<128x128xf32> to vector<128xf32>
    %broadcast_in_dim3A = vector.shape_cast %reduce_sum3A_2 : vector<128xf32> to vector<128x1xf32>
    %sqrt3A = math.sqrt %broadcast_in_dim3A : vector<128x1xf32>
    %max3A = arith.constant 9.99999996E-13 : f32
    %max3A_3 = vector.broadcast %max3A : f32 to vector<128x1xf32>
    %max3A_4 = arith.maximumf %sqrt3A, %max3A_3 : vector<128x1xf32>
    %div3A = vector.broadcast %max3A_4 : vector<128x1xf32> to vector<128x128xf32>
    %div3A_5 = arith.divf %get3A_1, %div3A : vector<128x128xf32>
    %get3A_6 = arith.constant 0 : index
    %get3A_7 = arith.constant 0 : index
    %get3A_8 = vector.load %arg2[%get3A_6, %get3A_7] : memref<4096x128xf32, #tpu.memory_space<vmem>>, vector<4096x128xf32>
    %dot_general3A = arith.constant dense<0.000000e+00> : vector<128x4096xf32>
    %dot_general3A_9 = tpu.matmul %div3A_5, %get3A_8, %dot_general3A {dimension_numbers = #tpu.dot_dimension_numbers<[1], [1], [0], [0], [0, 0, 1, 0], [], []>, transpose_lhs_hint = false} : vector<128x128xf32>, vector<4096x128xf32>, vector<128x4096xf32> -> vector<128x4096xf32>
    %convert_element_type3A = arith.truncf %dot_general3A_9 : vector<128x4096xf32> to vector<128x4096xbf16>
    %swap3A = tpu.memref_bitcast %arg3 : memref<64x4096xi32, #tpu.memory_space<vmem>> -> memref<128x4096xbf16, #tpu.memory_space<vmem>>
    %swap3A_10 = arith.constant 0 : index
    %swap3A_11 = arith.constant 0 : index
    %swap3A_12 = vector.load %swap3A[%swap3A_10, %swap3A_11] : memref<128x4096xbf16, #tpu.memory_space<vmem>>, vector<128x4096xbf16>
    tpu.vector_store %swap3A[%swap3A_10, %swap3A_11], %convert_element_type3A {strides = array<i32>} : memref<128x4096xbf16, #tpu.memory_space<vmem>>, vector<128x4096xbf16>,
    %swap3A_13 = arith.constant 0 : index
    %swap3A_14 = arith.constant 0 : index
    %swap3A_15 = vector.load %arg4[%swap3A_13, %swap3A_14] : memref<4096x128xf32, #tpu.memory_space<vmem>>, vector<4096x128xf32>
    tpu.vector_store %arg4[%swap3A_13, %swap3A_14], %get3A_8 {strides = array<i32>} : memref<4096x128xf32, #tpu.memory_space<vmem>>, vector<4096x128xf32>,
    return
  }
  func.func @transform_0(%arg0: i32) -> (i32, i32) {
    %c0_i32 = arith.constant 0 : i32
    %c0_i32_0 = arith.constant 0 : i32
    %c0_i32_1 = arith.constant 0 : i32
    return %c0_i32, %c0_i32_0 : i32, i32
  }
  func.func @transform_1(%arg0: i32) -> (i32, i32) {
    %c0_i32 = arith.constant 0 : i32
    %c0_i32_0 = arith.constant 0 : i32
    return %arg0, %c0_i32 : i32, i32
  }
  func.func @transform_2(%arg0: i32) -> (i32, i32) {
    %c0_i32 = arith.constant 0 : i32
    %c0_i32_0 = arith.constant 0 : i32
    return %c0_i32, %arg0 : i32, i32
  }
  func.func @transform_3(%arg0: i32) -> (i32, i32) {
    %c0_i32 = arith.constant 0 : i32
    %c0_i32_0 = arith.constant 0 : i32
    return %arg0, %c0_i32 : i32, i32
  }
}

module attributes {stable_mosaic.version = 14 : i64} {
  func.func @_tc_scatter_body(%arg0: memref<128xi32, #tpu.memory_space<smem>>, %arg1: memref<128x128xf32, #tpu.memory_space<vmem>>, %arg2: memref<128x128xf32, #tpu.memory_space<vmem>>, %arg3: memref<100000x128xf32, #tpu.memory_space<hbm>>, %arg4: memref<100000x128xf32, #tpu.memory_space<hbm>>, %arg5: memref<100000x128xf32, #tpu.memory_space<hbm>>, %arg6: memref<100000x128xf32, #tpu.memory_space<hbm>>, %arg7: memref<100000x128xf32, #tpu.memory_space<hbm>>, %arg8: memref<100000x128xf32, #tpu.memory_space<hbm>>, %arg9: memref<128x128xf32, #tpu.memory_space<vmem>>, %arg10: memref<128x128xf32, #tpu.memory_space<vmem>>, %arg11: memref<!tpu.dma_semaphore, #tpu.memory_space<semaphore_mem>>, %arg12: memref<!tpu.dma_semaphore, #tpu.memory_space<semaphore_mem>>) attributes {dimension_semantics = [], scalar_prefetch = 0 : i64, scratch_operands = 4 : i64, tpu.core_type = #tpu.core_type<tc>} {
    %scan3A = arith.constant 0 : i32
    %scan3A_0 = arith.constant 128 : i32
    %scan3A_1 = arith.addi %scan3A, %scan3A_0 : i32
    %scan3A_2 = arith.constant 1 : i32
    scf.for %scan3A_80 = %scan3A to %scan3A_1 step %scan3A_2  : i32 {
      %get3A_81 = arith.index_cast %scan3A_80 : i32 to index
      %get3A_82 = memref.load %arg0[%get3A_81] : memref<128xi32, #tpu.memory_space<smem>>
      %dma_start3A = arith.constant 0 : i32
      %dma_start3A_83 = tpu.memref_slice %arg9[%scan3A_80, %dma_start3A] : memref<128x128xf32, #tpu.memory_space<vmem>> -> memref<1x128xf32, #tpu.memory_space<vmem>>
      %dma_start3A_84 = arith.constant 0 : i32
      %dma_start3A_85 = tpu.memref_slice %arg3[%get3A_82, %dma_start3A_84] : memref<100000x128xf32, #tpu.memory_space<hbm>> -> memref<1x128xf32, #tpu.memory_space<hbm>>
      tpu.enqueue_dma source(%dma_start3A_85 : memref<1x128xf32, #tpu.memory_space<hbm>>) target(%dma_start3A_83 : memref<1x128xf32, #tpu.memory_space<vmem>>) target_semaphore(%arg11 : memref<!tpu.dma_semaphore, #tpu.memory_space<semaphore_mem>>)
      %get3A_86 = arith.index_cast %scan3A_80 : i32 to index
      %get3A_87 = memref.load %arg0[%get3A_86] : memref<128xi32, #tpu.memory_space<smem>>
      %dma_start3A_88 = arith.constant 0 : i32
      %dma_start3A_89 = tpu.memref_slice %arg10[%scan3A_80, %dma_start3A_88] : memref<128x128xf32, #tpu.memory_space<vmem>> -> memref<1x128xf32, #tpu.memory_space<vmem>>
      %dma_start3A_90 = arith.constant 0 : i32
      %dma_start3A_91 = tpu.memref_slice %arg4[%get3A_87, %dma_start3A_90] : memref<100000x128xf32, #tpu.memory_space<hbm>> -> memref<1x128xf32, #tpu.memory_space<hbm>>
      tpu.enqueue_dma source(%dma_start3A_91 : memref<1x128xf32, #tpu.memory_space<hbm>>) target(%dma_start3A_89 : memref<1x128xf32, #tpu.memory_space<vmem>>) target_semaphore(%arg12 : memref<!tpu.dma_semaphore, #tpu.memory_space<semaphore_mem>>)
    }
    %scan3A_3 = arith.constant 128 : i32
    %scan3A_4 = arith.constant 0 : i32
    %scan3A_5 = arith.constant 128 : i32
    %scan3A_6 = arith.addi %scan3A_4, %scan3A_5 : i32
    %scan3A_7 = arith.constant 1 : i32
    scf.for %scan3A_80 = %scan3A_4 to %scan3A_6 step %scan3A_7  : i32 {
      %dma_wait3A = arith.constant 0 : i32
      %dma_wait3A_81 = arith.constant 0 : i32
      %dma_wait3A_82 = tpu.memref_slice %arg9[%dma_wait3A, %dma_wait3A_81] : memref<128x128xf32, #tpu.memory_space<vmem>> -> memref<1x128xf32, #tpu.memory_space<vmem>>
      %dma_wait3A_83 = arith.constant 0 : i32
      %dma_wait3A_84 = arith.constant 0 : i32
      %dma_wait3A_85 = tpu.memref_slice %arg3[%dma_wait3A_83, %dma_wait3A_84] : memref<100000x128xf32, #tpu.memory_space<hbm>> -> memref<1x128xf32, #tpu.memory_space<hbm>>
      tpu.wait_dma2 semaphore(%arg11 : memref<!tpu.dma_semaphore, #tpu.memory_space<semaphore_mem>>) src(%dma_wait3A_85 : memref<1x128xf32, #tpu.memory_space<hbm>>) dst(%dma_wait3A_82 : memref<1x128xf32, #tpu.memory_space<vmem>>)
      %dma_wait3A_86 = arith.constant 0 : i32
      %dma_wait3A_87 = arith.constant 0 : i32
      %dma_wait3A_88 = tpu.memref_slice %arg10[%dma_wait3A_86, %dma_wait3A_87] : memref<128x128xf32, #tpu.memory_space<vmem>> -> memref<1x128xf32, #tpu.memory_space<vmem>>
      %dma_wait3A_89 = arith.constant 0 : i32
      %dma_wait3A_90 = arith.constant 0 : i32
      %dma_wait3A_91 = tpu.memref_slice %arg4[%dma_wait3A_89, %dma_wait3A_90] : memref<100000x128xf32, #tpu.memory_space<hbm>> -> memref<1x128xf32, #tpu.memory_space<hbm>>
      tpu.wait_dma2 semaphore(%arg12 : memref<!tpu.dma_semaphore, #tpu.memory_space<semaphore_mem>>) src(%dma_wait3A_91 : memref<1x128xf32, #tpu.memory_space<hbm>>) dst(%dma_wait3A_88 : memref<1x128xf32, #tpu.memory_space<vmem>>)
    }
    %get3A = arith.constant 0 : index
    %get3A_8 = arith.constant 0 : index
    %get3A_9 = vector.load %arg1[%get3A, %get3A_8] : memref<128x128xf32, #tpu.memory_space<vmem>>, vector<128x128xf32>
    %mul3A = arith.mulf %get3A_9, %get3A_9 : vector<128x128xf32>
    %reduce_sum3A = arith.constant dense<0.000000e+00> : vector<128xf32>
    %reduce_sum3A_10 = vector.multi_reduction <add>, %mul3A, %reduce_sum3A [1] : vector<128x128xf32> to vector<128xf32>
    %broadcast_in_dim3A = vector.shape_cast %reduce_sum3A_10 : vector<128xf32> to vector<128x1xf32>
    %sqrt3A = math.sqrt %broadcast_in_dim3A : vector<128x1xf32>
    %max3A = arith.constant 9.99999996E-13 : f32
    %max3A_11 = vector.broadcast %max3A : f32 to vector<128x1xf32>
    %max3A_12 = arith.maximumf %sqrt3A, %max3A_11 : vector<128x1xf32>
    %div3A = vector.broadcast %max3A_12 : vector<128x1xf32> to vector<128x128xf32>
    %div3A_13 = arith.divf %get3A_9, %div3A : vector<128x128xf32>
    %get3A_14 = arith.constant 0 : index
    %get3A_15 = arith.constant 0 : index
    %get3A_16 = vector.load %arg2[%get3A_14, %get3A_15] : memref<128x128xf32, #tpu.memory_space<vmem>>, vector<128x128xf32>
    %mul3A_17 = arith.mulf %get3A_16, %get3A_16 : vector<128x128xf32>
    %reduce_sum3A_18 = arith.constant dense<0.000000e+00> : vector<128xf32>
    %reduce_sum3A_19 = vector.multi_reduction <add>, %mul3A_17, %reduce_sum3A_18 [1] : vector<128x128xf32> to vector<128xf32>
    %broadcast_in_dim3A_20 = vector.shape_cast %reduce_sum3A_19 : vector<128xf32> to vector<128x1xf32>
    %sqrt3A_21 = math.sqrt %broadcast_in_dim3A_20 : vector<128x1xf32>
    %max3A_22 = arith.constant 9.99999996E-13 : f32
    %max3A_23 = vector.broadcast %max3A_22 : f32 to vector<128x1xf32>
    %max3A_24 = arith.maximumf %sqrt3A_21, %max3A_23 : vector<128x1xf32>
    %div3A_25 = vector.broadcast %max3A_24 : vector<128x1xf32> to vector<128x128xf32>
    %div3A_26 = arith.divf %get3A_16, %div3A_25 : vector<128x128xf32>
    %get3A_27 = arith.constant 0 : index
    %get3A_28 = arith.constant 0 : index
    %get3A_29 = vector.load %arg9[%get3A_27, %get3A_28] : memref<128x128xf32, #tpu.memory_space<vmem>>, vector<128x128xf32>
    %mul3A_30 = arith.constant 5.000000e-01 : f32
    %mul3A_31 = vector.broadcast %mul3A_30 : f32 to vector<128x128xf32>
    %mul3A_32 = arith.mulf %get3A_29, %mul3A_31 : vector<128x128xf32>
    %mul3A_33 = arith.constant 5.000000e-01 : f32
    %mul3A_34 = vector.broadcast %mul3A_33 : f32 to vector<128x128xf32>
    %mul3A_35 = arith.mulf %div3A_13, %mul3A_34 : vector<128x128xf32>
    %add3A = arith.addf %mul3A_32, %mul3A_35 : vector<128x128xf32>
    %mul3A_36 = arith.mulf %add3A, %add3A : vector<128x128xf32>
    %reduce_sum3A_37 = arith.constant dense<0.000000e+00> : vector<128xf32>
    %reduce_sum3A_38 = vector.multi_reduction <add>, %mul3A_36, %reduce_sum3A_37 [1] : vector<128x128xf32> to vector<128xf32>
    %broadcast_in_dim3A_39 = vector.shape_cast %reduce_sum3A_38 : vector<128xf32> to vector<128x1xf32>
    %sqrt3A_40 = math.sqrt %broadcast_in_dim3A_39 : vector<128x1xf32>
    %max3A_41 = arith.constant 9.99999996E-13 : f32
    %max3A_42 = vector.broadcast %max3A_41 : f32 to vector<128x1xf32>
    %max3A_43 = arith.maximumf %sqrt3A_40, %max3A_42 : vector<128x1xf32>
    %div3A_44 = vector.broadcast %max3A_43 : vector<128x1xf32> to vector<128x128xf32>
    %div3A_45 = arith.divf %add3A, %div3A_44 : vector<128x128xf32>
    %swap3A = arith.constant 0 : index
    %swap3A_46 = arith.constant 0 : index
    %swap3A_47 = vector.load %arg9[%swap3A, %swap3A_46] : memref<128x128xf32, #tpu.memory_space<vmem>>, vector<128x128xf32>
    tpu.vector_store %arg9[%swap3A, %swap3A_46], %div3A_45 {strides = array<i32>} : memref<128x128xf32, #tpu.memory_space<vmem>>, vector<128x128xf32>,
    %get3A_48 = arith.constant 0 : index
    %get3A_49 = arith.constant 0 : index
    %get3A_50 = vector.load %arg10[%get3A_48, %get3A_49] : memref<128x128xf32, #tpu.memory_space<vmem>>, vector<128x128xf32>
    %mul3A_51 = arith.constant 5.000000e-01 : f32
    %mul3A_52 = vector.broadcast %mul3A_51 : f32 to vector<128x128xf32>
    %mul3A_53 = arith.mulf %get3A_50, %mul3A_52 : vector<128x128xf32>
    %mul3A_54 = arith.constant 5.000000e-01 : f32
    %mul3A_55 = vector.broadcast %mul3A_54 : f32 to vector<128x128xf32>
    %mul3A_56 = arith.mulf %div3A_26, %mul3A_55 : vector<128x128xf32>
    %add3A_57 = arith.addf %mul3A_53, %mul3A_56 : vector<128x128xf32>
    %mul3A_58 = arith.mulf %add3A_57, %add3A_57 : vector<128x128xf32>
    %reduce_sum3A_59 = arith.constant dense<0.000000e+00> : vector<128xf32>
    %reduce_sum3A_60 = vector.multi_reduction <add>, %mul3A_58, %reduce_sum3A_59 [1] : vector<128x128xf32> to vector<128xf32>
    %broadcast_in_dim3A_61 = vector.shape_cast %reduce_sum3A_60 : vector<128xf32> to vector<128x1xf32>
    %sqrt3A_62 = math.sqrt %broadcast_in_dim3A_61 : vector<128x1xf32>
    %max3A_63 = arith.constant 9.99999996E-13 : f32
    %max3A_64 = vector.broadcast %max3A_63 : f32 to vector<128x1xf32>
    %max3A_65 = arith.maximumf %sqrt3A_62, %max3A_64 : vector<128x1xf32>
    %div3A_66 = vector.broadcast %max3A_65 : vector<128x1xf32> to vector<128x128xf32>
    %div3A_67 = arith.divf %add3A_57, %div3A_66 : vector<128x128xf32>
    %swap3A_68 = arith.constant 0 : index
    %swap3A_69 = arith.constant 0 : index
    %swap3A_70 = vector.load %arg10[%swap3A_68, %swap3A_69] : memref<128x128xf32, #tpu.memory_space<vmem>>, vector<128x128xf32>
    tpu.vector_store %arg10[%swap3A_68, %swap3A_69], %div3A_67 {strides = array<i32>} : memref<128x128xf32, #tpu.memory_space<vmem>>, vector<128x128xf32>,
    %scan3A_71 = arith.constant 0 : i32
    %scan3A_72 = arith.constant 128 : i32
    %scan3A_73 = arith.addi %scan3A_71, %scan3A_72 : i32
    %scan3A_74 = arith.constant 1 : i32
    scf.for %scan3A_80 = %scan3A_71 to %scan3A_73 step %scan3A_74  : i32 {
      %get3A_81 = arith.index_cast %scan3A_80 : i32 to index
      %get3A_82 = memref.load %arg0[%get3A_81] : memref<128xi32, #tpu.memory_space<smem>>
      %dma_start3A = arith.constant 0 : i32
      %dma_start3A_83 = tpu.memref_slice %arg7[%get3A_82, %dma_start3A] : memref<100000x128xf32, #tpu.memory_space<hbm>> -> memref<1x128xf32, #tpu.memory_space<hbm>>
      %dma_start3A_84 = arith.constant 0 : i32
      %dma_start3A_85 = tpu.memref_slice %arg9[%scan3A_80, %dma_start3A_84] : memref<128x128xf32, #tpu.memory_space<vmem>> -> memref<1x128xf32, #tpu.memory_space<vmem>>
      tpu.enqueue_dma source(%dma_start3A_85 : memref<1x128xf32, #tpu.memory_space<vmem>>) target(%dma_start3A_83 : memref<1x128xf32, #tpu.memory_space<hbm>>) target_semaphore(%arg11 : memref<!tpu.dma_semaphore, #tpu.memory_space<semaphore_mem>>)
      %get3A_86 = arith.index_cast %scan3A_80 : i32 to index
      %get3A_87 = memref.load %arg0[%get3A_86] : memref<128xi32, #tpu.memory_space<smem>>
      %dma_start3A_88 = arith.constant 0 : i32
      %dma_start3A_89 = tpu.memref_slice %arg8[%get3A_87, %dma_start3A_88] : memref<100000x128xf32, #tpu.memory_space<hbm>> -> memref<1x128xf32, #tpu.memory_space<hbm>>
      %dma_start3A_90 = arith.constant 0 : i32
      %dma_start3A_91 = tpu.memref_slice %arg10[%scan3A_80, %dma_start3A_90] : memref<128x128xf32, #tpu.memory_space<vmem>> -> memref<1x128xf32, #tpu.memory_space<vmem>>
      tpu.enqueue_dma source(%dma_start3A_91 : memref<1x128xf32, #tpu.memory_space<vmem>>) target(%dma_start3A_89 : memref<1x128xf32, #tpu.memory_space<hbm>>) target_semaphore(%arg12 : memref<!tpu.dma_semaphore, #tpu.memory_space<semaphore_mem>>)
    }
    %scan3A_75 = arith.constant 128 : i32
    %scan3A_76 = arith.constant 0 : i32
    %scan3A_77 = arith.constant 128 : i32
    %scan3A_78 = arith.addi %scan3A_76, %scan3A_77 : i32
    %scan3A_79 = arith.constant 1 : i32
    scf.for %scan3A_80 = %scan3A_76 to %scan3A_78 step %scan3A_79  : i32 {
      %dma_wait3A = arith.constant 0 : i32
      %dma_wait3A_81 = arith.constant 0 : i32
      %dma_wait3A_82 = tpu.memref_slice %arg7[%dma_wait3A, %dma_wait3A_81] : memref<100000x128xf32, #tpu.memory_space<hbm>> -> memref<1x128xf32, #tpu.memory_space<hbm>>
      %dma_wait3A_83 = arith.constant 0 : i32
      %dma_wait3A_84 = arith.constant 0 : i32
      %dma_wait3A_85 = tpu.memref_slice %arg9[%dma_wait3A_83, %dma_wait3A_84] : memref<128x128xf32, #tpu.memory_space<vmem>> -> memref<1x128xf32, #tpu.memory_space<vmem>>
      tpu.wait_dma2 semaphore(%arg11 : memref<!tpu.dma_semaphore, #tpu.memory_space<semaphore_mem>>) src(%dma_wait3A_85 : memref<1x128xf32, #tpu.memory_space<vmem>>) dst(%dma_wait3A_82 : memref<1x128xf32, #tpu.memory_space<hbm>>)
      %dma_wait3A_86 = arith.constant 0 : i32
      %dma_wait3A_87 = arith.constant 0 : i32
      %dma_wait3A_88 = tpu.memref_slice %arg8[%dma_wait3A_86, %dma_wait3A_87] : memref<100000x128xf32, #tpu.memory_space<hbm>> -> memref<1x128xf32, #tpu.memory_space<hbm>>
      %dma_wait3A_89 = arith.constant 0 : i32
      %dma_wait3A_90 = arith.constant 0 : i32
      %dma_wait3A_91 = tpu.memref_slice %arg10[%dma_wait3A_89, %dma_wait3A_90] : memref<128x128xf32, #tpu.memory_space<vmem>> -> memref<1x128xf32, #tpu.memory_space<vmem>>
      tpu.wait_dma2 semaphore(%arg12 : memref<!tpu.dma_semaphore, #tpu.memory_space<semaphore_mem>>) src(%dma_wait3A_91 : memref<1x128xf32, #tpu.memory_space<vmem>>) dst(%dma_wait3A_88 : memref<1x128xf32, #tpu.memory_space<hbm>>)
    }
    return
  }
}

module attributes {stable_mosaic.version = 14 : i64} {
  func.func @_tc_norm_body(%arg0: memref<128x4112xf32, #tpu.memory_space<vmem>>, %arg1: memref<128x4097xf32, #tpu.memory_space<vmem>>) attributes {dimension_semantics = [], scalar_prefetch = 0 : i64, scratch_operands = 0 : i64, tpu.core_type = #tpu.core_type<tc>} {
    %iota3A = tpu.iota {dimensions = array<i32: 1>} : vector<128x4112xi32>
    %lt3A = arith.constant 4097 : i32
    %lt3A_0 = vector.broadcast %lt3A : i32 to vector<128x4112xi32>
    %lt3A_1 = arith.cmpi slt, %iota3A, %lt3A_0 : vector<128x4112xi32>
    %get3A = arith.constant 0 : index
    %get3A_2 = arith.constant 0 : index
    %get3A_3 = vector.load %arg0[%get3A, %get3A_2] : memref<128x4112xf32, #tpu.memory_space<vmem>>, vector<128x4112xf32>
    %mul3A = arith.constant 14.2857141 : f32
    %mul3A_4 = vector.broadcast %mul3A : f32 to vector<128x4112xf32>
    %mul3A_5 = arith.mulf %get3A_3, %mul3A_4 : vector<128x4112xf32>
    %exp3A = math.exp %mul3A_5 : vector<128x4112xf32>
    %jit3A = arith.constant 0.000000e+00 : f32
    %broadcast_in_dim3A = vector.broadcast %jit3A : f32 to vector<128x4112xf32>
    %select_n3A = arith.select %lt3A_1, %exp3A, %broadcast_in_dim3A : vector<128x4112xi1>, vector<128x4112xf32>
    %reduce_sum3A = vector.shape_cast %select_n3A : vector<128x4112xf32> to vector<1x128x4112xf32>
    %reduce_sum3A_6 = arith.constant dense<0.000000e+00> : vector<1xf32>
    %reduce_sum3A_7 = vector.multi_reduction <add>, %reduce_sum3A, %reduce_sum3A_6 [1, 2] : vector<1x128x4112xf32> to vector<1xf32>
    %reduce_sum3A_8 = vector.shape_cast %reduce_sum3A_7 : vector<1xf32> to vector<1x1x1xf32>
    %reduce_sum3A_9 = vector.extract %reduce_sum3A_8[0, 0, 0] : f32 from vector<1x1x1xf32>
    %mul3A_10 = arith.constant 0.190688312 : f32
    %mul3A_11 = arith.mulf %reduce_sum3A_9, %mul3A_10 : f32
    %div3A = arith.constant 1.000000e+00 : f32
    %div3A_12 = arith.divf %div3A, %mul3A_11 : f32
    %mul3A_13 = vector.broadcast %div3A_12 : f32 to vector<128x4112xf32>
    %mul3A_14 = arith.mulf %select_n3A, %mul3A_13 : vector<128x4112xf32>
    %slice3A = vector.extract_strided_slice %mul3A_14 {offsets = [0, 0], sizes = [128, 4097], strides = [1, 1]} : vector<128x4112xf32> to vector<128x4097xf32>
    %swap3A = arith.constant 0 : index
    %swap3A_15 = arith.constant 0 : index
    %swap3A_16 = vector.load %arg1[%swap3A, %swap3A_15] : memref<128x4097xf32, #tpu.memory_space<vmem>>, vector<128x4097xf32>
    tpu.vector_store %arg1[%swap3A, %swap3A_15], %slice3A {strides = array<i32>} : memref<128x4097xf32, #tpu.memory_space<vmem>>, vector<128x4097xf32>,
    return
  }
}

</mosaic_0001>

<sc_bundles>
// kernel: kernel.12.cloned.1.call-start
scs
__scs_entry_jumppad:
0x0: {  	(pc) =	sbr.rel $0x88, $3  }
0x1: {  	(tag) =	ssettag $0x0;
	lr =	simm.s32 $0x1  }
0x2: {  	[smem:$0x3F9B] =	sst lr;
	_ =	strace $0xD0000000  }
0x3: {  	_ = 	snop  }
0x4: {  	_ = 	snop  }
0x5: {  	_ = 	snop  }
0x6: {  	_ = 	snop  }
0x7: {  	_ = 	snop  }
__scs_overlays_trampoline_lowered:
0x8: {  	[smem:$0x3FAA] =	sst s0  }
0x9: {  	[smem:$0x3FAB] =	sst s1  }
0xa: {  	[smem:$0x3FAC] =	sst s2  }
0xb: {  	[smem:$0x3FAD] =	sst s3  }
0xc: {  	[smem:$0x3FAE] =	sst s4  }
0xd: {  	[smem:$0x3FAF] =	sst s5  }
0xe: {  	[smem:$0x3FB0] =	sst s6  }
0xf: {  	[smem:$0x3FB1] =	sst s7  }
0x10: {  	[smem:$0x3FB2] =	sst s8  }
0x11: {  	[smem:$0x3FB3] =	sst s9;
	s0 =	simm.s32 @!p0 $0x0  }
0x12: {  	s1 =	sld [smem:$0x3F99];
	s0 =	simm.s32 @p0 $0x1  }
0x13: {  	[smem:$0x3FB4] =	sst s0;
	s0 =	simm.s32 @!p1 $0x0  }
0x14: {  	s2 =	sld [smem:$0x3F98];
	s0 =	simm.s32 @p1 $0x1  }
0x15: {  	[smem:$0x3FB5] =	sst s0;
	s0 =	simm.s32 @!p2 $0x0  }
0x16: {  	s3 =	sld [smem:$0x3FDB];
	s0 =	simm.s32 @p2 $0x1  }
0x17: {  	s4 =	simm.s32 $0x1BF5;
	[smem:$0x3FB7] =	sst s0  }
0x18: {  	s0 =	sld [smem:$0x3F9A];
	_ =	swait.ge [sflag:s4], $0x0  }
0x19: {  	s7 =	sld [smem:$0x3F9B]  }
0x1a: {  	s8 =	sadd.s32 $0xFFFFE003, lr  }
0x1b: {  	s9 =	sadd.s32 $0xFFFFFEF7, lr;
	s5 =	simm.s32 $0xFFFFFFFF;
	p2 =	slt.u32 s8, $0xFFFFF086  }
0x1c: {  	p1 =	slt.u32 s9, $0xF7A;
	s5 =	simm.s32 @!p2 $0x0  }
0x1d: {  	s5 =	simm.s32 @p1 $0x1;
	p0 =	seq.s32 s7, s2  }
0x1e: {  	s7 =	smul.u32 @!p0 $0xF7A, s2;
	p2 =	seq.s32 @!p0 s5, $0x0  }
0x1f: {  	s9 =	smul.u32 $0xF7A, s1;
	s8 =	simm.s32 @!p0 $0x1BF5;
	p2 =	por !p2, p0  }
0x20: {  	[sflag:s8] =	ssyncset.s32 @!p0 $0xFFFFF086;
	s6 =	sadd.s32 @!p0 s3, s7;
	s7 =	simm.s32 @!p0 $0x108  }
0x21: {  	s3 =	sadd.s32 s3, s9;
	s6 =	sadd.s32 @!p0 $0x88, s6;
	s7 =	simm.s32 @p2 $0x1082  }
0x22: {  	[simem:s7], [sflag:s8] =	dma.local @!p0 [hbm:s6], $0xF7A  }
0x23: {  	s9 =	sor.u32 $0xD0000000, s2;
	s6 =	simm.s32 $0x108;
	_ =	swait.ge @!p0 [sflag:s8], $0x0  }
0x24: {  	s3 =	sadd.s32 $0x88, s3;
	s6 =	simm.s32 @!p1 $0x1082;
	[sflag:s4] =	ssyncset.s32 $0xFFFFF086  }
0x25: {  	[simem:s6], [sflag:s4] =	dma.local [hbm:s3], $0xF7A  }
0x26: {  	[smem:$0x3F9B] =	sst s1;
	(tag) =	ssettag s2;
	_ =	strace s9  }
0x27: {  	s1 =	sld [smem:$0x3FAB]  }
0x28: {  	s2 =	sld [smem:$0x3FAC]  }
0x29: {  	s4 =	sld [smem:$0x3FAE]  }
0x2a: {  	p0 =	seq.s32 s5, $0x0;
	s5 =	sld [smem:$0x3FAF]  }
0x2b: {  	s6 =	sld [smem:$0x3FB0]  }
0x2c: {  	s7 =	sld [smem:$0x3FB1]  }
0x2d: {  	s3 =	simm.s32 $0x108;
	s8 =	sld [smem:$0x3FB2]  }
0x2e: {  	s3 =	simm.s32 @!p0 $0x1082;
	s9 =	sld [smem:$0x3FB3]  }
0x2f: {  	lr =	sadd.s32 s0, s3;
	s0 =	sld [smem:$0x3FAA]  }
0x30: {  	s3 =	sld [smem:$0x3FAD]  }
0x31: {  	[smem:$0x3FB6] =	sst s10  }
0x32: {  	s10 =	sld [smem:$0x3FB4];
	_ =	sdelay $0x3  }
0x33: {  	p0 =	seq.s32 s10, $0x1;
	s10 =	sld [smem:$0x3FB6];
	_ =	sdelay $0x3  }
0x34: {  	[smem:$0x3FB6] =	sst s10  }
0x35: {  	s10 =	sld [smem:$0x3FB5];
	_ =	sdelay $0x3  }
0x36: {  	p1 =	seq.s32 s10, $0x1;
	s10 =	sld [smem:$0x3FB6];
	_ =	sdelay $0x3  }
0x37: {  	[smem:$0x3FB6] =	sst s10  }
0x38: {  	s10 =	sld [smem:$0x3FB7]  }
0x39: {  	_ = 	snop;
	(pc) =	sbr.ind lr, $3  }
0x3a: {  	_ = 	snop  }
0x3b: {  	_ = 	snop  }
0x3c: {  	p2 =	seq.s32 s10, $0x1;
	s10 =	sld [smem:$0x3FB6]  }
0x3d: {  	_ =	shalt  }
0x3e: {  	_ =	shalt  }
0x3f: {  	_ =	shalt  }
0x40: {  	_ =	shalt  }
0x41: {  	_ =	shalt  }
0x42: {  	_ =	shalt  }
0x43: {  	_ =	shalt  }
0x44: {  	_ =	shalt  }
0x45: {  	_ =	shalt  }
0x46: {  	_ =	shalt  }
0x47: {  	_ =	shalt  }
0x48: {  	_ =	shalt  }
0x49: {  	_ =	shalt  }
0x4a: {  	_ =	shalt  }
0x4b: {  	_ =	shalt  }
0x4c: {  	_ =	shalt  }
0x4d: {  	_ =	shalt  }
0x4e: {  	_ =	shalt  }
0x4f: {  	_ =	shalt  }
0x50: {  	_ =	shalt  }
0x51: {  	_ =	shalt  }
0x52: {  	_ =	shalt  }
0x53: {  	_ =	shalt  }
0x54: {  	_ =	shalt  }
0x55: {  	_ =	shalt  }
0x56: {  	_ =	shalt  }
0x57: {  	_ =	shalt  }
0x58: {  	_ =	shalt  }
0x59: {  	_ =	shalt  }
0x5a: {  	_ =	shalt  }
0x5b: {  	_ =	shalt  }
0x5c: {  	_ =	shalt  }
0x5d: {  	_ =	shalt  }
0x5e: {  	_ =	shalt  }
0x5f: {  	_ =	shalt  }
0x60: {  	_ =	shalt  }
0x61: {  	_ =	shalt  }
0x62: {  	_ =	shalt  }
0x63: {  	_ =	shalt  }
0x64: {  	_ =	shalt  }
0x65: {  	_ =	shalt  }
0x66: {  	_ =	shalt  }
0x67: {  	_ =	shalt  }
0x68: {  	_ =	shalt  }
0x69: {  	_ =	shalt  }
0x6a: {  	_ =	shalt  }
0x6b: {  	_ =	shalt  }
0x6c: {  	_ =	shalt  }
0x6d: {  	_ =	shalt  }
0x6e: {  	_ =	shalt  }
0x6f: {  	_ =	shalt  }
0x70: {  	_ =	shalt  }
0x71: {  	_ =	shalt  }
0x72: {  	_ =	shalt  }
0x73: {  	_ =	shalt  }
0x74: {  	_ =	shalt  }
0x75: {  	_ =	shalt  }
0x76: {  	_ =	shalt  }
0x77: {  	_ =	shalt  }
0x78: {  	_ =	shalt  }
0x79: {  	_ =	shalt  }
0x7a: {  	_ =	shalt  }
0x7b: {  	_ =	shalt  }
0x7c: {  	_ =	shalt  }
0x7d: {  	_ =	shalt  }
0x7e: {  	_ =	shalt  }
0x7f: {  	_ =	shalt  }
0x80: {  	_ =	shalt  }
0x81: {  	_ =	shalt  }
0x82: {  	_ =	shalt  }
0x83: {  	_ =	shalt  }
0x84: {  	_ =	shalt  }
0x85: {  	_ =	shalt  }
0x86: {  	_ =	shalt  }
0x87: {  	_ =	shalt  }
.Lfunc_end0:
.L_simem_size_0:
called_computation.1_lowered:
.L_overlay_start_0:
0x88: {  	s2 =	sld [smem:$0x3FD9]  }
0x89: {  	s3 =	sld [smem:$0x3FFE];
	_ =	sdelay $0x1  }
0x8a: {  	s1 =	srdreg.scid  }
0x8b: {  	s0 =	sand.u32 $0x1, s1  }
0x8c: {  	s17 =	sshll.u32 s0, $0xA;
	s2 =	sadd.s32 s3, s2  }
0x8d: {  	s2 =	sadd.s32 s2, s17  }
0x8e: {  	[smem:$0x3FC2] =	sst s2  }
0x8f: {  	_ = 	snop  }
0x90: {  	(tm) =	ssettm $0x1  }
0x91: {  	s18 =	sld [smem:$0x3FFB];
	_ =	sdelay $0x3  }
0x92: {  	_ =	strace s18  }
0x93: {  	s2 =	sld [smem:$0x3FFC];
	_ =	sdelay $0x3  }
0x94: {  	_ =	strace s2  }
0x95: {  	s2 =	sld [smem:$0x3FFD];
	_ =	sdelay $0x3  }
0x96: {  	_ =	strace s2  }
0x97: {  	_ =	strace $0x8FFFFFFF  }
0x98: {  	s19 =	sld [smem:$0x3FDB];
	_ =	sdelay $0x1  }
0x99: {  	s20 =	simm.s32 $_scs_section_size  }
0x9a: {  	s4 =	simm.s32 $_size__tile_overlayer_lowered;
	s5 =	simm.s32 $_tile_overlayer_lowered  }
0x9b: {  	s6 =	simm.s32 $0x1BFF;
	s21 =	sshll.u32 s5, $0x1;
	s3 =	sadd.s32 s20, s19  }
0x9c: {  	s22 =	simm.s32 $0x0;
	s4 =	sshll.u32 s4, $0x1;
	s5 =	sadd.s32 s21, s3  }
0x9d: {  	[timem:s22], [sflag:s6] =	dma.local [hbm:s5], s4  }
0x9e: {  	_ =	swait.ge [sflag:s6], s4  }
0x9f: {  	s4 =	ssub.s32 $0x0, s4;
	[sflag:s6] =	ssyncset.done $0x0  }
0xa0: {  	[sflag:s6] =	ssyncadd.s32 s4;
	_ =	sdelay $0x1  }
0xa1: {  	s23 =	simm.s32 $0x1B8B  }
0xa2: {  	_ =	swait.ge [sflag:s23], $0x1  }
0xa3: {  	[sflag:s23] =	ssyncset.done $0x0  }
0xa4: {  	[sflag:s23] =	ssyncadd.s32 $0xFFFFFFFF  }
0xa5: {  	s4 =	sld [smem:$0x0]  }
0xa6: {  	s5 =	sand.u32 $0xFFFFFFFE, s1  }
0xa7: {  	p0 =	sne.s32 s1, s5  }
0xa8: {  	s5 =	sshll.u32 @p0 s5, $0xE  }
0xa9: {  	s5 =	sadd.s32 @p0 $0x11B8D, s5;
	s6 =	sshll.u32 @p0 s4, $0x11  }
0xaa: {  	s5 =	sor.u32 @p0 s6, s5  }
0xab: {  	[sflag:s5] =	ssyncadd.remote.s32 @p0 $0x1;
	_ =	sdelay $0x1  }
0xac: {  	s5 =	simm.s32 @p0 $0x1B8D  }
0xad: {  	_ =	swait.eq @p0 [sflag:s5], $0x1  }
0xae: {  	[sflag:s5] =	ssyncadd.s32 @p0 $0xFFFFFFFF  }
0xaf: {  	s6 =	sshll.u32 @!p0 s1, $0xE  }
0xb0: {  	s6 =	sor.u32 @!p0 $0x4000, s6;
	s5 =	simm.s32 @!p0 $0x1B8D  }
0xb1: {  	s4 =	sshll.u32 @!p0 s4, $0x11;
	s6 =	sadd.s32 @!p0 $0x11B8D, s6;
	_ =	swait.eq @!p0 [sflag:s5], $0x1  }
0xb2: {  	s4 =	sor.u32 @!p0 s4, s6;
	[sflag:s5] =	ssyncadd.s32 @!p0 $0xFFFFFFFF  }
0xb3: {  	s25 =	simm.s32 $0x1B8E;
	s24 =	sld [smem:$0x3FFE];
	[sflag:s4] =	ssyncadd.remote.s32 @!p0 $0x1  }
0xb4: {  	s26 =	simm.s32 $execute0_lowered;
	[smem:$0x3FD2] =	sst s25  }
0xb5: {  	s5 =	sshll.u32 s26, $0x1;
	_ =	strace $0x80000049;
	[dreg:$0x1] =	wrdreg $0xFFFFFFFF  }
0xb6: {  	s28 =	simm.s32 $_size_execute0_lowered;
	s3 =	sadd.s32 s3, s5;
	[dreg:$0x0] =	wrdreg $0x0  }
0xb7: {  	s5 =	sshll.u32 s28, $0x1;
	[dreg:$0x2] =	wrdreg s3  }
0xb8: {  	[dreg:$0x3] =	wrdreg s5  }
0xb9: {  	[dreg:$0x4] =	wrdreg $0xC0  }
0xba: {  	_ =	task [dreg:s22], $0x5FFFF  }
0xbb: {  	[dreg:$0x1] =	wrdreg $0xFFFFFFFF  }
0xbc: {  	[dreg:$0x0] =	wrdreg $0x60  }
0xbd: {  	[dreg:$0x2] =	wrdreg s24  }
0xbe: {  	[dreg:$0x3] =	wrdreg $0xA  }
0xbf: {  	_ =	task.clear_ibuf [dreg:s22], $0x4FFFF;
	_ =	strace $0x90000049  }
0xc0: {  	s29 =	simm.s32 $0xA;
	_ =	strace $0x8000004B  }
0xc1: {  	_ =	swait.ge [sflag:s29], $0x1  }
0xc2: {  	[sflag:s29] =	ssyncadd.s32 $0xFFFFFFFF  }
0xc3: {  	_ =	strace $0x9000004B  }
0xc4: {  	_ =	sfence  }
0xc5: {  	s30 =	sld [smem:$0x0];
	_ =	sdelay $0x2  }
0xc6: {  	s31 =	sshll.u32 s1, $0xD;
	s1 =	sshrl.u32 s1, $0x2  }
0xc7: {  	s4 =	sand.u32 $0x4000, s31;
	s1 =	sadd.s32 s1, s30  }
0xc8: {  	s0 =	sor.u32 s4, s0;
	s1 =	sshll.u32 s1, $0x11  }
0xc9: {  	s0 =	sor.u32 s1, s0  }
0xca: {  	s0 =	sadd.s32 $0x8F2B, s0  }
0xcb: {  	[sflag:s0] =	ssyncadd.remote.s32 $0x1  }
0xcc: {  	_ =	sfence.sel $0xFFFF  }
0xcd: {  	[dreg:$0x0] =	wrdreg $0xFFFFFFFF;
	(pc) =	sbr.abs _section_cstart, $3  }
0xce: {  	[dreg:$0x1] =	wrdreg $0xFFFFFFFF  }
0xcf: {  	_ =	task.clear_ibuf [dreg:s22], $0x2FFFF;
	_ =	strace $0x9FFFFFFF  }
0xd0: {  	(tm) =	ssettm $0x7FFFFFFF  }
0xd1: {  	_ =	shalt  }
tec
execute0_lowered:
.L_overlay_start_1:
0x0: {  	(tag) =	ssettag $0x1  }
0x1: {  	s1 =	srdreg.scid  }
0x2: {  	s0 =	stileid.u32;
	s5 =	rddreg [dreg:$0x0];
	s15 =	simm.s32 $0x400  }
0x3: {  	s16 =	simm.s32 $0x1;
	s17 =	simm.s32 $0x18700;
	s18 =	simm.s32 $0x19780  }
0x4: {  	s19 =	simm.s32 $0x0;
	s3 =	sand.u32 $0x1, s1;
	s26 =	sshrl.u32 s0, $0x1  }
0x5: {  	s2 =	sshll.u32 s0, $0x9;
	s1 =	rddreg [dreg:$0x1];
	s29 =	smul.u32 $0x8400, s0  }
0x6: {  	s4 =	smul.u32 $0xC3800, s26;
	s28 =	sshll.u32 s3, $0x8;
	s2 =	sand.u32 $0x200, s2  }
0x7: {  	s11 =	sadd.s32 $0x1400, s5;
	s12 =	sadd.s32 $0x1A9400, s5;
	s6 =	sor.u32 s28, s2  }
0x8: {  	s30 =	sshll.u32 s3, $0x9;
	s3 =	ssub.s32 $0x2, s3;
	s4 =	sor.u32 s4, s6  }
0x9: {  	s2 =	simm.s32 $0x0;
	s31 =	sshrl.u32 s3, $0x1;
	s4 =	sshrl.u32 s4, $0x3  }
0xa: {  	[smem:$0x7FF] =	sst s2;
	s8 =	sadd.s32 s4, s5;
	s4 =	sor.u32 s30, s29  }
0xb: {  	s14 =	ssub.s32 s3, s31;
	_ =	strace $0x8000004A;
	s13 =	sshrl.u32 s4, $0x3  }
0xc: {  	s3 =	sadd.s32 $0xE5C00, s8;
	s8 =	sadd.s32 $0xE5C10, s8;
	s7 =	sor.u32 $0x10, s13  }
0xd: {  	s4 =	sadd.s32 s11, s13;
	s5 =	sadd.s32 s12, s13;
	s10 =	sor.u32 $0x20, s13  }
0xe: {  	s13 =	sor.u32 $0x30, s13;
	s6 =	sadd.s32 s11, s7;
	s7 =	sadd.s32 s12, s7  }
0xf: {  	s9 =	sadd.s32 s11, s10;
	s10 =	sadd.s32 s12, s10;
	s11 =	sadd.s32 s11, s13  }
0x10: {  	s12 =	sadd.s32 s12, s13;
	s13 =	smax.u32 s14, $0x1;
	s14 =	simm.s32 $0x80  }
.LBB2_1:
0x11: {  	[tilespmem:s2], [sflag:$0x1] =	stream.strided.gather [hbm4b:s3+s14], $0x18700, s15, s14, $0x38;
	[tilespmem:$0x1A800] =	vst v63  }
0x12: {  	_ =	swait.ge [sflag:s16], $0x18700  }
0x13: {  	[sflag:s16] =	ssyncset.done $0x0  }
0x14: {  	[sflag:s16] =	ssyncadd.s32 $0xFFFE7900  }
0x15: {  	[tilespmem:s17], [sflag:$0x1] =	stream.strided.gather [hbm4b:s4+s14], $0x1080, s15, s14, $0x38;
	[tilespmem:$0x1A800] =	vst v63  }
0x16: {  	_ =	swait.ge [sflag:s16], $0x1080  }
0x17: {  	[sflag:s16] =	ssyncset.done $0x0  }
0x18: {  	s20 =	simm.s32 $0x18740;
	[sflag:s16] =	ssyncadd.s32 $0xFFFFEF80  }
0x19: {  	v0 =	vld [tilespmem:s20+$0x30]  }
0x1a: {  	v1 =	vld [tilespmem:s20+$0xFFFFFFD0]  }
0x1b: {  	v2 =	vld [tilespmem:s20+$0xFFFFFFE0]  }
0x1c: {  	v3 =	vld [tilespmem:s20+$0xFFFFFFF0]  }
0x1d: {  	v6 =	vld [tilespmem:s20+$0x0]  }
0x1e: {  	v7 =	vld [tilespmem:s20+$0x10]  }
0x1f: {  	v8 =	vld [tilespmem:s20+$0x20]  }
0x20: {  	v9 =	vld [tilespmem:s20+$0xFFFFFFC0]  }
0x21: {  	v10 =	vld.idx.msk [tilespmem:v0+s2+$0x0], $0xffff  }
0x22: {  	v11 =	vld.idx.msk [tilespmem:v1+s2+$0x0], $0xffff  }
0x23: {  	v5 =	vld.idx.msk [tilespmem:v2+s2+$0x0], $0xffff  }
0x24: {  	v4 =	vld.idx.msk [tilespmem:v3+s2+$0x0], $0xffff  }
0x25: {  	v3 =	vld.idx.msk [tilespmem:v6+s2+$0x0], $0xffff  }
0x26: {  	v1 =	vld.idx.msk [tilespmem:v7+s2+$0x0], $0xffff  }
0x27: {  	s20 =	simm.s32 $0x197C0;
	v0 =	vld.idx.msk [tilespmem:v8+s2+$0x0], $0xffff;
	v7 =	vshll.u32 v10, $0x10  }
0x28: {  	s21 =	simm.s32 $0x0;
	s22 =	simm.s32 $0x187C0;
	v2 =	vld.idx.msk [tilespmem:v9+s2+$0x0], $0xffff;
	v6 =	vshll.u32 v11, $0x10;
	[tilespmem:s20+$0x30] =	vst v7  }
.LBB2_2:
0x29: {  	v7 =	vld [tilespmem:s22+$0x30];
	s21 =	sadd.s32 $0x8, s21;
	[tilespmem:s20+$0xFFFFFFD0] =	vst v6;
	v5 =	vshll.u32 v5, $0x10  }
0x2a: {  	v4 =	vshll.u32 v4, $0x10;
	v6 =	vld [tilespmem:s22+$0xFFFFFFD0];
	p0 =	slt.u32 s21, $0xF8;
	[tilespmem:s20+$0xFFFFFFE0] =	vst v5  }
0x2b: {  	v3 =	vshll.u32 v3, $0x10;
	v5 =	vld [tilespmem:s22+$0xFFFFFFE0];
	[tilespmem:s20+$0xFFFFFFF0] =	vst v4  }
0x2c: {  	v1 =	vshll.u32 v1, $0x10;
	v4 =	vld [tilespmem:s22+$0xFFFFFFF0];
	[tilespmem:s20+$0x0] =	vst v3  }
0x2d: {  	v0 =	vshll.u32 v0, $0x10;
	v3 =	vld [tilespmem:s22+$0x0];
	[tilespmem:s20+$0x10] =	vst v1  }
0x2e: {  	v2 =	vshll.u32 v2, $0x10;
	v1 =	vld [tilespmem:s22+$0x10];
	[tilespmem:s20+$0x20] =	vst v0  }
0x2f: {  	v0 =	vld [tilespmem:s22+$0x20];
	[tilespmem:s20+$0xFFFFFFC0] =	vst v2  }
0x30: {  	v2 =	vld [tilespmem:s22+$0xFFFFFFC0]  }
0x31: {  	v7 =	vld.idx.msk [tilespmem:v7+s2+$0x0], $0xffff  }
0x32: {  	v6 =	vld.idx.msk [tilespmem:v6+s2+$0x0], $0xffff  }
0x33: {  	v5 =	vld.idx.msk [tilespmem:v5+s2+$0x0], $0xffff  }
.Ltmp0:
0x34: {  	v4 =	vld.idx.msk [tilespmem:v4+s2+$0x0], $0xffff;
	(pc) =	sbr.rel @p0 .LBB2_2-.Ltmp0, $4  }
0x35: {  	v3 =	vld.idx.msk [tilespmem:v3+s2+$0x0], $0xffff  }
0x36: {  	v1 =	vld.idx.msk [tilespmem:v1+s2+$0x0], $0xffff  }
0x37: {  	s20 =	sadd.s32 $0x80, s20;
	v7 =	vshll.u32 v7, $0x10;
	v0 =	vld.idx.msk [tilespmem:v0+s2+$0x0], $0xffff  }
0x38: {  	s22 =	sadd.s32 $0x80, s22;
	v6 =	vshll.u32 v6, $0x10;
	v2 =	vld.idx.msk [tilespmem:v2+s2+$0x0], $0xffff;
	[tilespmem:s20+$0x30] =	vst v7  }
0x39: {  	[tilespmem:s20+$0xFFFFFFD0] =	vst v6;
	v5 =	vshll.u32 v5, $0x10  }
0x3a: {  	v4 =	vshll.u32 v4, $0x10;
	[tilespmem:s20+$0xFFFFFFE0] =	vst v5  }
0x3b: {  	[tilespmem:s20+$0xFFFFFFF0] =	vst v4;
	v3 =	vshll.u32 v3, $0x10  }
0x3c: {  	[tilespmem:s20+$0x0] =	vst v3;
	v1 =	vshll.u32 v1, $0x10  }
0x3d: {  	[tilespmem:s20+$0x10] =	vst v1;
	v0 =	vshll.u32 v0, $0x10  }
0x3e: {  	v1 =	vshll.u32 v2, $0x10;
	[tilespmem:s20+$0x20] =	vst v0  }
0x3f: {  	[tilespmem:s20+$0xFFFFFFC0] =	vst v1  }
0x40: {  	v0 =	vld [tilespmem:$0x19700];
	_ =	sdelay $0x7  }
0x41: {  	v0 =	vld.idx.msk [tilespmem:v0+s2+$0x0], $0xffff;
	_ =	sdelay $0x4  }
0x42: {  	v0 =	vshll.u32 v0, $0x10  }
0x43: {  	[tilespmem:$0x1A780] =	vst v0  }
0x44: {  	[hbm4b:s5+s14] =	stream.strided.scatter [tilespmem:s18], [sflag:$0x1], $0x1080, s15, s14, $0x38;
	[tilespmem:$0x1A800] =	vst v63  }
0x45: {  	_ =	swait.ge [sflag:s16], $0x1080  }
0x46: {  	[sflag:s16] =	ssyncset.done $0x0  }
0x47: {  	[sflag:s16] =	ssyncadd.s32 $0xFFFFEF80  }
0x48: {  	[tilespmem:s17], [sflag:$0x1] =	stream.strided.gather [hbm4b:s6+s14], $0x1080, s15, s14, $0x38;
	[tilespmem:$0x1A800] =	vst v63  }
0x49: {  	_ =	swait.ge [sflag:s16], $0x1080  }
0x4a: {  	[sflag:s16] =	ssyncset.done $0x0  }
0x4b: {  	s31 =	simm.s32 $0x18740;
	[sflag:s16] =	ssyncadd.s32 $0xFFFFEF80  }
0x4c: {  	v0 =	vld [tilespmem:s31+$0x30]  }
0x4d: {  	v1 =	vld [tilespmem:s31+$0xFFFFFFD0]  }
0x4e: {  	v2 =	vld [tilespmem:s31+$0xFFFFFFE0]  }
0x4f: {  	v3 =	vld [tilespmem:s31+$0xFFFFFFF0]  }
0x50: {  	v6 =	vld [tilespmem:s31+$0x0]  }
0x51: {  	v7 =	vld [tilespmem:s31+$0x10]  }
0x52: {  	v8 =	vld [tilespmem:s31+$0x20]  }
0x53: {  	v9 =	vld [tilespmem:s31+$0xFFFFFFC0]  }
0x54: {  	v10 =	vld.idx.msk [tilespmem:v0+s2+$0x0], $0xffff  }
0x55: {  	v11 =	vld.idx.msk [tilespmem:v1+s2+$0x0], $0xffff  }
0x56: {  	v5 =	vld.idx.msk [tilespmem:v2+s2+$0x0], $0xffff  }
0x57: {  	v4 =	vld.idx.msk [tilespmem:v3+s2+$0x0], $0xffff  }
0x58: {  	v3 =	vld.idx.msk [tilespmem:v6+s2+$0x0], $0xffff  }
0x59: {  	v1 =	vld.idx.msk [tilespmem:v7+s2+$0x0], $0xffff  }
0x5a: {  	s20 =	simm.s32 $0x197C0;
	v0 =	vld.idx.msk [tilespmem:v8+s2+$0x0], $0xffff;
	v7 =	vand.u32 $0xFFFF0000, v10  }
0x5b: {  	s21 =	simm.s32 $0x0;
	s22 =	simm.s32 $0x187C0;
	v2 =	vld.idx.msk [tilespmem:v9+s2+$0x0], $0xffff;
	v6 =	vand.u32 $0xFFFF0000, v11;
	[tilespmem:s20+$0x30] =	vst v7  }
.LBB2_4:
0x5c: {  	v7 =	vld [tilespmem:s22+$0x30];
	s21 =	sadd.s32 $0x8, s21;
	[tilespmem:s20+$0xFFFFFFD0] =	vst v6;
	v5 =	vand.u32 $0xFFFF0000, v5  }
0x5d: {  	v4 =	vand.u32 $0xFFFF0000, v4;
	v6 =	vld [tilespmem:s22+$0xFFFFFFD0];
	p0 =	slt.u32 s21, $0xF8;
	[tilespmem:s20+$0xFFFFFFE0] =	vst v5  }
0x5e: {  	v3 =	vand.u32 $0xFFFF0000, v3;
	v5 =	vld [tilespmem:s22+$0xFFFFFFE0];
	[tilespmem:s20+$0xFFFFFFF0] =	vst v4  }
0x5f: {  	v1 =	vand.u32 $0xFFFF0000, v1;
	v4 =	vld [tilespmem:s22+$0xFFFFFFF0];
	[tilespmem:s20+$0x0] =	vst v3  }
0x60: {  	v0 =	vand.u32 $0xFFFF0000, v0;
	v3 =	vld [tilespmem:s22+$0x0];
	[tilespmem:s20+$0x10] =	vst v1  }
0x61: {  	v2 =	vand.u32 $0xFFFF0000, v2;
	v1 =	vld [tilespmem:s22+$0x10];
	[tilespmem:s20+$0x20] =	vst v0  }
0x62: {  	v0 =	vld [tilespmem:s22+$0x20];
	[tilespmem:s20+$0xFFFFFFC0] =	vst v2  }
0x63: {  	v2 =	vld [tilespmem:s22+$0xFFFFFFC0]  }
0x64: {  	v7 =	vld.idx.msk [tilespmem:v7+s2+$0x0], $0xffff  }
0x65: {  	v6 =	vld.idx.msk [tilespmem:v6+s2+$0x0], $0xffff  }
0x66: {  	v5 =	vld.idx.msk [tilespmem:v5+s2+$0x0], $0xffff  }
.Ltmp1:
0x67: {  	v4 =	vld.idx.msk [tilespmem:v4+s2+$0x0], $0xffff;
	(pc) =	sbr.rel @p0 .LBB2_4-.Ltmp1, $4  }
0x68: {  	v3 =	vld.idx.msk [tilespmem:v3+s2+$0x0], $0xffff  }
0x69: {  	v1 =	vld.idx.msk [tilespmem:v1+s2+$0x0], $0xffff  }
0x6a: {  	s20 =	sadd.s32 $0x80, s20;
	v7 =	vand.u32 $0xFFFF0000, v7;
	v0 =	vld.idx.msk [tilespmem:v0+s2+$0x0], $0xffff  }
0x6b: {  	s22 =	sadd.s32 $0x80, s22;
	v6 =	vand.u32 $0xFFFF0000, v6;
	v2 =	vld.idx.msk [tilespmem:v2+s2+$0x0], $0xffff;
	[tilespmem:s20+$0x30] =	vst v7  }
0x6c: {  	[tilespmem:s20+$0xFFFFFFD0] =	vst v6;
	v5 =	vand.u32 $0xFFFF0000, v5  }
0x6d: {  	v4 =	vand.u32 $0xFFFF0000, v4;
	[tilespmem:s20+$0xFFFFFFE0] =	vst v5  }
0x6e: {  	[tilespmem:s20+$0xFFFFFFF0] =	vst v4;
	v3 =	vand.u32 $0xFFFF0000, v3  }
0x6f: {  	[tilespmem:s20+$0x0] =	vst v3;
	v1 =	vand.u32 $0xFFFF0000, v1  }
0x70: {  	[tilespmem:s20+$0x10] =	vst v1;
	v0 =	vand.u32 $0xFFFF0000, v0  }
0x71: {  	v1 =	vand.u32 $0xFFFF0000, v2;
	[tilespmem:s20+$0x20] =	vst v0  }
0x72: {  	[tilespmem:s20+$0xFFFFFFC0] =	vst v1  }
0x73: {  	v0 =	vld [tilespmem:$0x19700];
	_ =	sdelay $0x7  }
0x74: {  	v0 =	vld.idx.msk [tilespmem:v0+s2+$0x0], $0xffff;
	_ =	sdelay $0x4  }
0x75: {  	v0 =	vand.u32 $0xFFFF0000, v0  }
0x76: {  	[tilespmem:$0x1A780] =	vst v0  }
0x77: {  	[hbm4b:s7+s14] =	stream.strided.scatter [tilespmem:s18], [sflag:$0x1], $0x1080, s15, s14, $0x38;
	[tilespmem:$0x1A800] =	vst v63  }
0x78: {  	_ =	swait.ge [sflag:s16], $0x1080  }
0x79: {  	[sflag:s16] =	ssyncset.done $0x0  }
0x7a: {  	[sflag:s16] =	ssyncadd.s32 $0xFFFFEF80  }
0x7b: {  	[tilespmem:s2], [sflag:$0x1] =	stream.strided.gather [hbm4b:s8+s14], $0x18700, s15, s14, $0x38;
	[tilespmem:$0x1A800] =	vst v63  }
0x7c: {  	_ =	swait.ge [sflag:s16], $0x18700  }
0x7d: {  	[sflag:s16] =	ssyncset.done $0x0  }
0x7e: {  	[sflag:s16] =	ssyncadd.s32 $0xFFFE7900  }
0x7f: {  	[tilespmem:s17], [sflag:$0x1] =	stream.strided.gather [hbm4b:s9+s14], $0x1080, s15, s14, $0x38;
	[tilespmem:$0x1A800] =	vst v63  }
0x80: {  	_ =	swait.ge [sflag:s16], $0x1080  }
0x81: {  	[sflag:s16] =	ssyncset.done $0x0  }
0x82: {  	s31 =	simm.s32 $0x18740;
	[sflag:s16] =	ssyncadd.s32 $0xFFFFEF80  }
0x83: {  	v0 =	vld [tilespmem:s31+$0x30]  }
0x84: {  	v1 =	vld [tilespmem:s31+$0xFFFFFFD0]  }
0x85: {  	v2 =	vld [tilespmem:s31+$0xFFFFFFE0]  }
0x86: {  	v3 =	vld [tilespmem:s31+$0xFFFFFFF0]  }
0x87: {  	v6 =	vld [tilespmem:s31+$0x0]  }
0x88: {  	v7 =	vld [tilespmem:s31+$0x10]  }
0x89: {  	v8 =	vld [tilespmem:s31+$0x20]  }
0x8a: {  	v9 =	vld [tilespmem:s31+$0xFFFFFFC0]  }
0x8b: {  	v10 =	vld.idx.msk [tilespmem:v0+s2+$0x0], $0xffff  }
0x8c: {  	v11 =	vld.idx.msk [tilespmem:v1+s2+$0x0], $0xffff  }
0x8d: {  	v5 =	vld.idx.msk [tilespmem:v2+s2+$0x0], $0xffff  }
0x8e: {  	v4 =	vld.idx.msk [tilespmem:v3+s2+$0x0], $0xffff  }
0x8f: {  	v3 =	vld.idx.msk [tilespmem:v6+s2+$0x0], $0xffff  }
0x90: {  	v1 =	vld.idx.msk [tilespmem:v7+s2+$0x0], $0xffff  }
0x91: {  	s20 =	simm.s32 $0x197C0;
	v0 =	vld.idx.msk [tilespmem:v8+s2+$0x0], $0xffff;
	v7 =	vshll.u32 v10, $0x10  }
0x92: {  	s21 =	simm.s32 $0x0;
	s22 =	simm.s32 $0x187C0;
	v2 =	vld.idx.msk [tilespmem:v9+s2+$0x0], $0xffff;
	v6 =	vshll.u32 v11, $0x10;
	[tilespmem:s20+$0x30] =	vst v7  }
.LBB2_6:
0x93: {  	v7 =	vld [tilespmem:s22+$0x30];
	s21 =	sadd.s32 $0x8, s21;
	[tilespmem:s20+$0xFFFFFFD0] =	vst v6;
	v5 =	vshll.u32 v5, $0x10  }
0x94: {  	v4 =	vshll.u32 v4, $0x10;
	v6 =	vld [tilespmem:s22+$0xFFFFFFD0];
	p0 =	slt.u32 s21, $0xF8;
	[tilespmem:s20+$0xFFFFFFE0] =	vst v5  }
0x95: {  	v3 =	vshll.u32 v3, $0x10;
	v5 =	vld [tilespmem:s22+$0xFFFFFFE0];
	[tilespmem:s20+$0xFFFFFFF0] =	vst v4  }
0x96: {  	v1 =	vshll.u32 v1, $0x10;
	v4 =	vld [tilespmem:s22+$0xFFFFFFF0];
	[tilespmem:s20+$0x0] =	vst v3  }
0x97: {  	v0 =	vshll.u32 v0, $0x10;
	v3 =	vld [tilespmem:s22+$0x0];
	[tilespmem:s20+$0x10] =	vst v1  }
0x98: {  	v2 =	vshll.u32 v2, $0x10;
	v1 =	vld [tilespmem:s22+$0x10];
	[tilespmem:s20+$0x20] =	vst v0  }
0x99: {  	v0 =	vld [tilespmem:s22+$0x20];
	[tilespmem:s20+$0xFFFFFFC0] =	vst v2  }
0x9a: {  	v2 =	vld [tilespmem:s22+$0xFFFFFFC0]  }
0x9b: {  	v7 =	vld.idx.msk [tilespmem:v7+s2+$0x0], $0xffff  }
0x9c: {  	v6 =	vld.idx.msk [tilespmem:v6+s2+$0x0], $0xffff  }
0x9d: {  	v5 =	vld.idx.msk [tilespmem:v5+s2+$0x0], $0xffff  }
.Ltmp2:
0x9e: {  	v4 =	vld.idx.msk [tilespmem:v4+s2+$0x0], $0xffff;
	(pc) =	sbr.rel @p0 .LBB2_6-.Ltmp2, $4  }
0x9f: {  	v3 =	vld.idx.msk [tilespmem:v3+s2+$0x0], $0xffff  }
0xa0: {  	v1 =	vld.idx.msk [tilespmem:v1+s2+$0x0], $0xffff  }
0xa1: {  	s20 =	sadd.s32 $0x80, s20;
	v7 =	vshll.u32 v7, $0x10;
	v0 =	vld.idx.msk [tilespmem:v0+s2+$0x0], $0xffff  }
0xa2: {  	s22 =	sadd.s32 $0x80, s22;
	v6 =	vshll.u32 v6, $0x10;
	v2 =	vld.idx.msk [tilespmem:v2+s2+$0x0], $0xffff;
	[tilespmem:s20+$0x30] =	vst v7  }
0xa3: {  	[tilespmem:s20+$0xFFFFFFD0] =	vst v6;
	v5 =	vshll.u32 v5, $0x10  }
0xa4: {  	v4 =	vshll.u32 v4, $0x10;
	[tilespmem:s20+$0xFFFFFFE0] =	vst v5  }
0xa5: {  	[tilespmem:s20+$0xFFFFFFF0] =	vst v4;
	v3 =	vshll.u32 v3, $0x10  }
0xa6: {  	[tilespmem:s20+$0x0] =	vst v3;
	v1 =	vshll.u32 v1, $0x10  }
0xa7: {  	[tilespmem:s20+$0x10] =	vst v1;
	v0 =	vshll.u32 v0, $0x10  }
0xa8: {  	v1 =	vshll.u32 v2, $0x10;
	[tilespmem:s20+$0x20] =	vst v0  }
0xa9: {  	[tilespmem:s20+$0xFFFFFFC0] =	vst v1  }
0xaa: {  	v0 =	vld [tilespmem:$0x19700];
	_ =	sdelay $0x7  }
0xab: {  	v0 =	vld.idx.msk [tilespmem:v0+s2+$0x0], $0xffff;
	_ =	sdelay $0x4  }
0xac: {  	v0 =	vshll.u32 v0, $0x10  }
0xad: {  	[tilespmem:$0x1A780] =	vst v0  }
0xae: {  	[hbm4b:s10+s14] =	stream.strided.scatter [tilespmem:s18], [sflag:$0x1], $0x1080, s15, s14, $0x38;
	[tilespmem:$0x1A800] =	vst v63  }
0xaf: {  	_ =	swait.ge [sflag:s16], $0x1080  }
0xb0: {  	[sflag:s16] =	ssyncset.done $0x0  }
0xb1: {  	[sflag:s16] =	ssyncadd.s32 $0xFFFFEF80  }
0xb2: {  	[tilespmem:s17], [sflag:$0x1] =	stream.strided.gather [hbm4b:s11+s14], $0x1080, s15, s14, $0x38;
	[tilespmem:$0x1A800] =	vst v63  }
0xb3: {  	_ =	swait.ge [sflag:s16], $0x1080  }
0xb4: {  	[sflag:s16] =	ssyncset.done $0x0  }
0xb5: {  	s31 =	simm.s32 $0x18740;
	[sflag:s16] =	ssyncadd.s32 $0xFFFFEF80  }
0xb6: {  	v0 =	vld [tilespmem:s31+$0x30]  }
0xb7: {  	v1 =	vld [tilespmem:s31+$0xFFFFFFD0]  }
0xb8: {  	v2 =	vld [tilespmem:s31+$0xFFFFFFE0]  }
0xb9: {  	v3 =	vld [tilespmem:s31+$0xFFFFFFF0]  }
0xba: {  	v6 =	vld [tilespmem:s31+$0x0]  }
0xbb: {  	v7 =	vld [tilespmem:s31+$0x10]  }
0xbc: {  	v8 =	vld [tilespmem:s31+$0x20]  }
0xbd: {  	v9 =	vld [tilespmem:s31+$0xFFFFFFC0]  }
0xbe: {  	v10 =	vld.idx.msk [tilespmem:v0+s2+$0x0], $0xffff  }
0xbf: {  	v11 =	vld.idx.msk [tilespmem:v1+s2+$0x0], $0xffff  }
0xc0: {  	v5 =	vld.idx.msk [tilespmem:v2+s2+$0x0], $0xffff  }
0xc1: {  	v4 =	vld.idx.msk [tilespmem:v3+s2+$0x0], $0xffff  }
0xc2: {  	v3 =	vld.idx.msk [tilespmem:v6+s2+$0x0], $0xffff  }
0xc3: {  	v1 =	vld.idx.msk [tilespmem:v7+s2+$0x0], $0xffff  }
0xc4: {  	s20 =	simm.s32 $0x197C0;
	v0 =	vld.idx.msk [tilespmem:v8+s2+$0x0], $0xffff;
	v7 =	vand.u32 $0xFFFF0000, v10  }
0xc5: {  	s21 =	simm.s32 $0x0;
	s22 =	simm.s32 $0x187C0;
	v2 =	vld.idx.msk [tilespmem:v9+s2+$0x0], $0xffff;
	v6 =	vand.u32 $0xFFFF0000, v11;
	[tilespmem:s20+$0x30] =	vst v7  }
.LBB2_8:
0xc6: {  	v7 =	vld [tilespmem:s22+$0x30];
	s21 =	sadd.s32 $0x8, s21;
	[tilespmem:s20+$0xFFFFFFD0] =	vst v6;
	v5 =	vand.u32 $0xFFFF0000, v5  }
0xc7: {  	v4 =	vand.u32 $0xFFFF0000, v4;
	v6 =	vld [tilespmem:s22+$0xFFFFFFD0];
	p0 =	slt.u32 s21, $0xF8;
	[tilespmem:s20+$0xFFFFFFE0] =	vst v5  }
0xc8: {  	v3 =	vand.u32 $0xFFFF0000, v3;
	v5 =	vld [tilespmem:s22+$0xFFFFFFE0];
	[tilespmem:s20+$0xFFFFFFF0] =	vst v4  }
0xc9: {  	v1 =	vand.u32 $0xFFFF0000, v1;
	v4 =	vld [tilespmem:s22+$0xFFFFFFF0];
	[tilespmem:s20+$0x0] =	vst v3  }
0xca: {  	v0 =	vand.u32 $0xFFFF0000, v0;
	v3 =	vld [tilespmem:s22+$0x0];
	[tilespmem:s20+$0x10] =	vst v1  }
0xcb: {  	v2 =	vand.u32 $0xFFFF0000, v2;
	v1 =	vld [tilespmem:s22+$0x10];
	[tilespmem:s20+$0x20] =	vst v0  }
0xcc: {  	v0 =	vld [tilespmem:s22+$0x20];
	[tilespmem:s20+$0xFFFFFFC0] =	vst v2  }
0xcd: {  	v2 =	vld [tilespmem:s22+$0xFFFFFFC0]  }
0xce: {  	v7 =	vld.idx.msk [tilespmem:v7+s2+$0x0], $0xffff  }
0xcf: {  	v6 =	vld.idx.msk [tilespmem:v6+s2+$0x0], $0xffff  }
0xd0: {  	v5 =	vld.idx.msk [tilespmem:v5+s2+$0x0], $0xffff  }
.Ltmp3:
0xd1: {  	v4 =	vld.idx.msk [tilespmem:v4+s2+$0x0], $0xffff;
	(pc) =	sbr.rel @p0 .LBB2_8-.Ltmp3, $4  }
0xd2: {  	v3 =	vld.idx.msk [tilespmem:v3+s2+$0x0], $0xffff  }
0xd3: {  	v1 =	vld.idx.msk [tilespmem:v1+s2+$0x0], $0xffff  }
0xd4: {  	s20 =	sadd.s32 $0x80, s20;
	v7 =	vand.u32 $0xFFFF0000, v7;
	v0 =	vld.idx.msk [tilespmem:v0+s2+$0x0], $0xffff  }
0xd5: {  	s22 =	sadd.s32 $0x80, s22;
	v6 =	vand.u32 $0xFFFF0000, v6;
	v2 =	vld.idx.msk [tilespmem:v2+s2+$0x0], $0xffff;
	[tilespmem:s20+$0x30] =	vst v7  }
0xd6: {  	[tilespmem:s20+$0xFFFFFFD0] =	vst v6;
	v5 =	vand.u32 $0xFFFF0000, v5  }
0xd7: {  	v4 =	vand.u32 $0xFFFF0000, v4;
	[tilespmem:s20+$0xFFFFFFE0] =	vst v5  }
0xd8: {  	[tilespmem:s20+$0xFFFFFFF0] =	vst v4;
	v3 =	vand.u32 $0xFFFF0000, v3  }
0xd9: {  	[tilespmem:s20+$0x0] =	vst v3;
	v1 =	vand.u32 $0xFFFF0000, v1  }
0xda: {  	[tilespmem:s20+$0x10] =	vst v1;
	v0 =	vand.u32 $0xFFFF0000, v0  }
0xdb: {  	v63 =	vand.u32 $0xFFFF0000, v2;
	[tilespmem:s20+$0x20] =	vst v0  }
0xdc: {  	[tilespmem:s20+$0xFFFFFFC0] =	vst v63  }
0xdd: {  	v0 =	vld [tilespmem:$0x19700];
	_ =	sdelay $0x7  }
0xde: {  	v0 =	vld.idx.msk [tilespmem:v0+s2+$0x0], $0xffff;
	_ =	sdelay $0x3  }
0xdf: {  	s19 =	sadd.s32 $0x1, s19  }
0xe0: {  	p0 =	sne.s32 s19, s13;
	v0 =	vand.u32 $0xFFFF0000, v0  }
.Ltmp4:
0xe1: {  	[tilespmem:$0x1A780] =	vst v0;
	(pc) =	sbr.rel @p0 .LBB2_1-.Ltmp4, $4  }
0xe2: {  	[hbm4b:s12+s14] =	stream.strided.scatter [tilespmem:s18], [sflag:$0x1], $0x1080, s15, s14, $0x38;
	[tilespmem:$0x1A800] =	vst v63  }
0xe3: {  	_ =	swait.ge [sflag:s16], $0x1080  }
0xe4: {  	[sflag:s16] =	ssyncset.done $0x0  }
0xe5: {  	[sflag:s16] =	ssyncadd.s32 $0xFFFFEF80  }
0xe6: {  	_ =	sfence.sel $0x180000  }
0xe7: {  	[bflag:$0x0] =	sbarrier.arrive $0xFFFF  }
0xe8: {  	p0 =	sne.s32 s0, $0x0;
	_ =	strace $0x9000004A  }
0xe9: {  	s0 =	sadd.s32 @!p0 $0x100000, s1;
	[bflag:$0x2] =	sbarrier.arrive $0xFFFF  }
0xea: {  	[sflag:s0] =	ssyncadd.tile.s32 @!p0 $0x1;
	_ =	shalt  }
.Lfunc_end2:
_tile_overlayer_lowered:
.L_overlay_start_2:
0xeb: {  	(tag) =	ssettag $0x2  }
0xec: {  	s0 =	rddreg [dreg:$0x0];
	s2 =	stileid.u32  }
0xed: {  	s1 =	rddreg [dreg:$0x1];
	p0 =	sne.s32 s2, $0x0  }
0xee: {  	s3 =	rddreg [dreg:$0x2];
	[bflag:$0x3] =	sbarrier.arrive $0xFFFF;
	s2 =	simm.s32 @!p0 $0x1C01  }
0xef: {  	[timem:s3], [sflag:s2] =	dma.local @!p0 [hbm:s0], s1  }
0xf0: {  	s0 =	simm.s32 @!p0 $0x1  }
0xf1: {  	_ =	swait.ge @!p0 [sflag:s0], s1  }
0xf2: {  	s1 =	ssub.s32 @!p0 $0x0, s1;
	[sflag:s0] =	ssyncset.done @!p0 $0x0  }
0xf3: {  	[sflag:s0] =	ssyncadd.s32 @!p0 s1  }
0xf4: {  	[bflag:$0x3] =	sbarrier.arrive $0xFFFF  }
0xf5: {  	_ =	shalt  }

// kernel: kernel.9.cloned.1.call-start
scs
__scs_entry_jumppad:
0x0: {  	(pc) =	sbr.rel $0x88, $3  }
0x1: {  	(tag) =	ssettag $0x0;
	lr =	simm.s32 $0x1  }
0x2: {  	[smem:$0x3F9B] =	sst lr;
	_ =	strace $0xD0000000  }
0x3: {  	_ = 	snop  }
0x4: {  	_ = 	snop  }
0x5: {  	_ = 	snop  }
0x6: {  	_ = 	snop  }
0x7: {  	_ = 	snop  }
__scs_overlays_trampoline_lowered:
0x8: {  	[smem:$0x3FAA] =	sst s0  }
0x9: {  	[smem:$0x3FAB] =	sst s1  }
0xa: {  	[smem:$0x3FAC] =	sst s2  }
0xb: {  	[smem:$0x3FAD] =	sst s3  }
0xc: {  	[smem:$0x3FAE] =	sst s4  }
0xd: {  	[smem:$0x3FAF] =	sst s5  }
0xe: {  	[smem:$0x3FB0] =	sst s6  }
0xf: {  	[smem:$0x3FB1] =	sst s7  }
0x10: {  	[smem:$0x3FB2] =	sst s8  }
0x11: {  	[smem:$0x3FB3] =	sst s9;
	s0 =	simm.s32 @!p0 $0x0  }
0x12: {  	s1 =	sld [smem:$0x3F99];
	s0 =	simm.s32 @p0 $0x1  }
0x13: {  	[smem:$0x3FB4] =	sst s0;
	s0 =	simm.s32 @!p1 $0x0  }
0x14: {  	s2 =	sld [smem:$0x3F98];
	s0 =	simm.s32 @p1 $0x1  }
0x15: {  	[smem:$0x3FB5] =	sst s0;
	s0 =	simm.s32 @!p2 $0x0  }
0x16: {  	s3 =	sld [smem:$0x3FDB];
	s0 =	simm.s32 @p2 $0x1  }
0x17: {  	s4 =	simm.s32 $0x1BF5;
	[smem:$0x3FB7] =	sst s0  }
0x18: {  	s0 =	sld [smem:$0x3F9A];
	_ =	swait.ge [sflag:s4], $0x0  }
0x19: {  	s7 =	sld [smem:$0x3F9B]  }
0x1a: {  	s8 =	sadd.s32 $0xFFFFE003, lr  }
0x1b: {  	s9 =	sadd.s32 $0xFFFFFEF7, lr;
	s5 =	simm.s32 $0xFFFFFFFF;
	p2 =	slt.u32 s8, $0xFFFFF086  }
0x1c: {  	p1 =	slt.u32 s9, $0xF7A;
	s5 =	simm.s32 @!p2 $0x0  }
0x1d: {  	s5 =	simm.s32 @p1 $0x1;
	p0 =	seq.s32 s7, s2  }
0x1e: {  	s7 =	smul.u32 @!p0 $0xF7A, s2;
	p2 =	seq.s32 @!p0 s5, $0x0  }
0x1f: {  	s9 =	smul.u32 $0xF7A, s1;
	s8 =	simm.s32 @!p0 $0x1BF5;
	p2 =	por !p2, p0  }
0x20: {  	[sflag:s8] =	ssyncset.s32 @!p0 $0xFFFFF086;
	s6 =	sadd.s32 @!p0 s3, s7;
	s7 =	simm.s32 @!p0 $0x108  }
0x21: {  	s3 =	sadd.s32 s3, s9;
	s6 =	sadd.s32 @!p0 $0x88, s6;
	s7 =	simm.s32 @p2 $0x1082  }
0x22: {  	[simem:s7], [sflag:s8] =	dma.local @!p0 [hbm:s6], $0xF7A  }
0x23: {  	s9 =	sor.u32 $0xD0000000, s2;
	s6 =	simm.s32 $0x108;
	_ =	swait.ge @!p0 [sflag:s8], $0x0  }
0x24: {  	s3 =	sadd.s32 $0x88, s3;
	s6 =	simm.s32 @!p1 $0x1082;
	[sflag:s4] =	ssyncset.s32 $0xFFFFF086  }
0x25: {  	[simem:s6], [sflag:s4] =	dma.local [hbm:s3], $0xF7A  }
0x26: {  	[smem:$0x3F9B] =	sst s1;
	(tag) =	ssettag s2;
	_ =	strace s9  }
0x27: {  	s1 =	sld [smem:$0x3FAB]  }
0x28: {  	s2 =	sld [smem:$0x3FAC]  }
0x29: {  	s4 =	sld [smem:$0x3FAE]  }
0x2a: {  	p0 =	seq.s32 s5, $0x0;
	s5 =	sld [smem:$0x3FAF]  }
0x2b: {  	s6 =	sld [smem:$0x3FB0]  }
0x2c: {  	s7 =	sld [smem:$0x3FB1]  }
0x2d: {  	s3 =	simm.s32 $0x108;
	s8 =	sld [smem:$0x3FB2]  }
0x2e: {  	s3 =	simm.s32 @!p0 $0x1082;
	s9 =	sld [smem:$0x3FB3]  }
0x2f: {  	lr =	sadd.s32 s0, s3;
	s0 =	sld [smem:$0x3FAA]  }
0x30: {  	s3 =	sld [smem:$0x3FAD]  }
0x31: {  	[smem:$0x3FB6] =	sst s10  }
0x32: {  	s10 =	sld [smem:$0x3FB4];
	_ =	sdelay $0x3  }
0x33: {  	p0 =	seq.s32 s10, $0x1;
	s10 =	sld [smem:$0x3FB6];
	_ =	sdelay $0x3  }
0x34: {  	[smem:$0x3FB6] =	sst s10  }
0x35: {  	s10 =	sld [smem:$0x3FB5];
	_ =	sdelay $0x3  }
0x36: {  	p1 =	seq.s32 s10, $0x1;
	s10 =	sld [smem:$0x3FB6];
	_ =	sdelay $0x3  }
0x37: {  	[smem:$0x3FB6] =	sst s10  }
0x38: {  	s10 =	sld [smem:$0x3FB7]  }
0x39: {  	_ = 	snop;
	(pc) =	sbr.ind lr, $3  }
0x3a: {  	_ = 	snop  }
0x3b: {  	_ = 	snop  }
0x3c: {  	p2 =	seq.s32 s10, $0x1;
	s10 =	sld [smem:$0x3FB6]  }
0x3d: {  	_ =	shalt  }
0x3e: {  	_ =	shalt  }
0x3f: {  	_ =	shalt  }
0x40: {  	_ =	shalt  }
0x41: {  	_ =	shalt  }
0x42: {  	_ =	shalt  }
0x43: {  	_ =	shalt  }
0x44: {  	_ =	shalt  }
0x45: {  	_ =	shalt  }
0x46: {  	_ =	shalt  }
0x47: {  	_ =	shalt  }
0x48: {  	_ =	shalt  }
0x49: {  	_ =	shalt  }
0x4a: {  	_ =	shalt  }
0x4b: {  	_ =	shalt  }
0x4c: {  	_ =	shalt  }
0x4d: {  	_ =	shalt  }
0x4e: {  	_ =	shalt  }
0x4f: {  	_ =	shalt  }
0x50: {  	_ =	shalt  }
0x51: {  	_ =	shalt  }
0x52: {  	_ =	shalt  }
0x53: {  	_ =	shalt  }
0x54: {  	_ =	shalt  }
0x55: {  	_ =	shalt  }
0x56: {  	_ =	shalt  }
0x57: {  	_ =	shalt  }
0x58: {  	_ =	shalt  }
0x59: {  	_ =	shalt  }
0x5a: {  	_ =	shalt  }
0x5b: {  	_ =	shalt  }
0x5c: {  	_ =	shalt  }
0x5d: {  	_ =	shalt  }
0x5e: {  	_ =	shalt  }
0x5f: {  	_ =	shalt  }
0x60: {  	_ =	shalt  }
0x61: {  	_ =	shalt  }
0x62: {  	_ =	shalt  }
0x63: {  	_ =	shalt  }
0x64: {  	_ =	shalt  }
0x65: {  	_ =	shalt  }
0x66: {  	_ =	shalt  }
0x67: {  	_ =	shalt  }
0x68: {  	_ =	shalt  }
0x69: {  	_ =	shalt  }
0x6a: {  	_ =	shalt  }
0x6b: {  	_ =	shalt  }
0x6c: {  	_ =	shalt  }
0x6d: {  	_ =	shalt  }
0x6e: {  	_ =	shalt  }
0x6f: {  	_ =	shalt  }
0x70: {  	_ =	shalt  }
0x71: {  	_ =	shalt  }
0x72: {  	_ =	shalt  }
0x73: {  	_ =	shalt  }
0x74: {  	_ =	shalt  }
0x75: {  	_ =	shalt  }
0x76: {  	_ =	shalt  }
0x77: {  	_ =	shalt  }
0x78: {  	_ =	shalt  }
0x79: {  	_ =	shalt  }
0x7a: {  	_ =	shalt  }
0x7b: {  	_ =	shalt  }
0x7c: {  	_ =	shalt  }
0x7d: {  	_ =	shalt  }
0x7e: {  	_ =	shalt  }
0x7f: {  	_ =	shalt  }
0x80: {  	_ =	shalt  }
0x81: {  	_ =	shalt  }
0x82: {  	_ =	shalt  }
0x83: {  	_ =	shalt  }
0x84: {  	_ =	shalt  }
0x85: {  	_ =	shalt  }
0x86: {  	_ =	shalt  }
0x87: {  	_ =	shalt  }
.Lfunc_end0:
.L_simem_size_0:
called_computation_lowered:
.L_overlay_start_0:
0x88: {  	s2 =	sld [smem:$0x3FD9]  }
0x89: {  	s3 =	sld [smem:$0x3FFE];
	_ =	sdelay $0x1  }
0x8a: {  	s1 =	srdreg.scid  }
0x8b: {  	s0 =	sand.u32 $0x1, s1  }
0x8c: {  	s16 =	sshll.u32 s0, $0xA;
	s2 =	sadd.s32 s3, s2  }
0x8d: {  	s2 =	sadd.s32 s2, s16  }
0x8e: {  	[smem:$0x3FC2] =	sst s2  }
0x8f: {  	_ = 	snop  }
0x90: {  	(tm) =	ssettm $0x1  }
0x91: {  	s17 =	sld [smem:$0x3FFB];
	_ =	sdelay $0x3  }
0x92: {  	_ =	strace s17  }
0x93: {  	s2 =	sld [smem:$0x3FFC];
	_ =	sdelay $0x3  }
0x94: {  	_ =	strace s2  }
0x95: {  	s2 =	sld [smem:$0x3FFD];
	_ =	sdelay $0x3  }
0x96: {  	_ =	strace s2  }
0x97: {  	_ =	strace $0x8FFFFFFF  }
0x98: {  	s18 =	sld [smem:$0x3FDB];
	_ =	sdelay $0x1  }
0x99: {  	s19 =	simm.s32 $_scs_section_size  }
0x9a: {  	s4 =	simm.s32 $_size__tile_overlayer_lowered;
	s5 =	simm.s32 $_tile_overlayer_lowered  }
0x9b: {  	s22 =	simm.s32 $0x1BFF;
	s21 =	sshll.u32 s5, $0x1;
	s2 =	sadd.s32 s19, s18  }
0x9c: {  	s6 =	simm.s32 $0x0;
	s20 =	sshll.u32 s4, $0x1;
	s4 =	sadd.s32 s21, s2  }
0x9d: {  	[timem:s6], [sflag:s22] =	dma.local [hbm:s4], s20  }
0x9e: {  	_ =	swait.ge [sflag:s22], s20  }
0x9f: {  	s3 =	ssub.s32 $0x0, s20;
	[sflag:s22] =	ssyncset.done $0x0  }
0xa0: {  	[sflag:s22] =	ssyncadd.s32 s3;
	_ =	sdelay $0x1  }
0xa1: {  	s23 =	simm.s32 $0x1B8B  }
0xa2: {  	_ =	swait.ge [sflag:s23], $0x1  }
0xa3: {  	[sflag:s23] =	ssyncset.done $0x0  }
0xa4: {  	s25 =	simm.s32 $0x1B8E;
	s24 =	sld [smem:$0x3FFE];
	[sflag:s23] =	ssyncadd.s32 $0xFFFFFFFF  }
0xa5: {  	s26 =	simm.s32 $execute0_lowered;
	[smem:$0x3FD2] =	sst s25  }
0xa6: {  	s4 =	sshll.u32 s26, $0x1;
	_ =	strace $0x80000046;
	[dreg:$0x1] =	wrdreg $0xFFFFFFFF  }
0xa7: {  	s28 =	simm.s32 $_size_execute0_lowered;
	s2 =	sadd.s32 s2, s4;
	[dreg:$0x0] =	wrdreg $0x0  }
0xa8: {  	s4 =	sshll.u32 s28, $0x1;
	[dreg:$0x2] =	wrdreg s2  }
0xa9: {  	[dreg:$0x3] =	wrdreg s4  }
0xaa: {  	[dreg:$0x4] =	wrdreg $0xC0  }
0xab: {  	_ =	task [dreg:s6], $0x5FFFF  }
0xac: {  	[dreg:$0x1] =	wrdreg $0xFFFFFFFF  }
0xad: {  	[dreg:$0x0] =	wrdreg $0x60  }
0xae: {  	[dreg:$0x2] =	wrdreg s24  }
0xaf: {  	[dreg:$0x3] =	wrdreg $0x9  }
0xb0: {  	_ =	task.clear_ibuf [dreg:s6], $0x4FFFF;
	_ =	strace $0x90000046  }
0xb1: {  	s29 =	simm.s32 $0x9;
	_ =	strace $0x80000048  }
0xb2: {  	_ =	swait.ge [sflag:s29], $0x1  }
0xb3: {  	[sflag:s29] =	ssyncadd.s32 $0xFFFFFFFF  }
0xb4: {  	_ =	strace $0x90000048  }
0xb5: {  	_ =	sfence  }
0xb6: {  	s30 =	sld [smem:$0x0];
	_ =	sdelay $0x2  }
0xb7: {  	s31 =	sshll.u32 s1, $0xD;
	s1 =	sshrl.u32 s1, $0x2  }
0xb8: {  	s3 =	sand.u32 $0x4000, s31;
	s1 =	sadd.s32 s1, s30  }
0xb9: {  	s0 =	sor.u32 s3, s0;
	s1 =	sshll.u32 s1, $0x11  }
0xba: {  	s0 =	sor.u32 s1, s0  }
0xbb: {  	s0 =	sadd.s32 $0x8F2B, s0  }
0xbc: {  	[sflag:s0] =	ssyncadd.remote.s32 $0x1  }
0xbd: {  	_ =	sfence.sel $0xFFFF  }
0xbe: {  	[dreg:$0x0] =	wrdreg $0xFFFFFFFF;
	(pc) =	sbr.abs _section_cstart, $3  }
0xbf: {  	[dreg:$0x1] =	wrdreg $0xFFFFFFFF  }
0xc0: {  	_ =	task.clear_ibuf [dreg:s6], $0x2FFFF;
	_ =	strace $0x9FFFFFFF  }
0xc1: {  	(tm) =	ssettm $0x7FFFFFFF  }
tec
execute0_lowered:
.L_overlay_start_1:
0x0: {  	(tag) =	ssettag $0x1  }
0x1: {  	s1 =	srdreg.scid  }
0x2: {  	s0 =	stileid.u32;
	s5 =	rddreg [dreg:$0x0];
	s15 =	simm.s32 $0x400  }
0x3: {  	s16 =	simm.s32 $0x1;
	s17 =	simm.s32 $0x18700;
	s18 =	simm.s32 $0x19780  }
0x4: {  	s19 =	simm.s32 $0x0;
	s3 =	sand.u32 $0x1, s1;
	s26 =	sshrl.u32 s0, $0x1  }
0x5: {  	s2 =	sshll.u32 s0, $0x9;
	s1 =	rddreg [dreg:$0x1];
	s29 =	smul.u32 $0x8400, s0  }
0x6: {  	s4 =	smul.u32 $0xC3800, s26;
	s28 =	sshll.u32 s3, $0x8;
	s2 =	sand.u32 $0x200, s2  }
0x7: {  	s11 =	sadd.s32 $0x1400, s5;
	s12 =	sadd.s32 $0xD5400, s5;
	s6 =	sor.u32 s28, s2  }
0x8: {  	s30 =	sshll.u32 s3, $0x9;
	s3 =	ssub.s32 $0x2, s3;
	s4 =	sor.u32 s4, s6  }
0x9: {  	s2 =	simm.s32 $0x0;
	s31 =	sshrl.u32 s3, $0x1;
	s4 =	sshrl.u32 s4, $0x3  }
0xa: {  	[smem:$0x7FF] =	sst s2;
	s8 =	sadd.s32 s4, s5;
	s4 =	sor.u32 s30, s29  }
0xb: {  	s14 =	ssub.s32 s3, s31;
	_ =	strace $0x80000047;
	s13 =	sshrl.u32 s4, $0x3  }
0xc: {  	s3 =	sadd.s32 $0x11C00, s8;
	s8 =	sadd.s32 $0x11C10, s8;
	s7 =	sor.u32 $0x10, s13  }
0xd: {  	s4 =	sadd.s32 s11, s13;
	s5 =	sadd.s32 s12, s13;
	s10 =	sor.u32 $0x20, s13  }
0xe: {  	s13 =	sor.u32 $0x30, s13;
	s6 =	sadd.s32 s11, s7;
	s7 =	sadd.s32 s12, s7  }
0xf: {  	s9 =	sadd.s32 s11, s10;
	s10 =	sadd.s32 s12, s10;
	s11 =	sadd.s32 s11, s13  }
0x10: {  	s12 =	sadd.s32 s12, s13;
	s13 =	smax.u32 s14, $0x1;
	s14 =	simm.s32 $0x80  }
.LBB2_1:
0x11: {  	[tilespmem:s2], [sflag:$0x1] =	stream.strided.gather [hbm4b:s3+s14], $0x18700, s15, s14, $0x38;
	[tilespmem:$0x1A800] =	vst v63  }
0x12: {  	_ =	swait.ge [sflag:s16], $0x18700  }
0x13: {  	[sflag:s16] =	ssyncset.done $0x0  }
0x14: {  	[sflag:s16] =	ssyncadd.s32 $0xFFFE7900  }
0x15: {  	[tilespmem:s17], [sflag:$0x1] =	stream.strided.gather [hbm4b:s4+s14], $0x1080, s15, s14, $0x38;
	[tilespmem:$0x1A800] =	vst v63  }
0x16: {  	_ =	swait.ge [sflag:s16], $0x1080  }
0x17: {  	[sflag:s16] =	ssyncset.done $0x0  }
0x18: {  	s20 =	simm.s32 $0x18740;
	[sflag:s16] =	ssyncadd.s32 $0xFFFFEF80  }
0x19: {  	v0 =	vld [tilespmem:s20+$0x30]  }
0x1a: {  	v1 =	vld [tilespmem:s20+$0xFFFFFFD0]  }
0x1b: {  	v2 =	vld [tilespmem:s20+$0xFFFFFFE0]  }
0x1c: {  	v3 =	vld [tilespmem:s20+$0xFFFFFFF0]  }
0x1d: {  	v6 =	vld [tilespmem:s20+$0x0]  }
0x1e: {  	v7 =	vld [tilespmem:s20+$0x10]  }
0x1f: {  	v8 =	vld [tilespmem:s20+$0x20]  }
0x20: {  	v9 =	vld [tilespmem:s20+$0xFFFFFFC0]  }
0x21: {  	v10 =	vld.idx.msk [tilespmem:v0+s2+$0x0], $0xffff  }
0x22: {  	v11 =	vld.idx.msk [tilespmem:v1+s2+$0x0], $0xffff  }
0x23: {  	v5 =	vld.idx.msk [tilespmem:v2+s2+$0x0], $0xffff  }
0x24: {  	v4 =	vld.idx.msk [tilespmem:v3+s2+$0x0], $0xffff  }
0x25: {  	v3 =	vld.idx.msk [tilespmem:v6+s2+$0x0], $0xffff  }
0x26: {  	v1 =	vld.idx.msk [tilespmem:v7+s2+$0x0], $0xffff  }
0x27: {  	s20 =	simm.s32 $0x197C0;
	v0 =	vld.idx.msk [tilespmem:v8+s2+$0x0], $0xffff;
	v7 =	vshll.u32 v10, $0x10  }
0x28: {  	s21 =	simm.s32 $0x0;
	s22 =	simm.s32 $0x187C0;
	v2 =	vld.idx.msk [tilespmem:v9+s2+$0x0], $0xffff;
	v6 =	vshll.u32 v11, $0x10;
	[tilespmem:s20+$0x30] =	vst v7  }
.LBB2_2:
0x29: {  	v7 =	vld [tilespmem:s22+$0x30];
	s21 =	sadd.s32 $0x8, s21;
	[tilespmem:s20+$0xFFFFFFD0] =	vst v6;
	v5 =	vshll.u32 v5, $0x10  }
0x2a: {  	v4 =	vshll.u32 v4, $0x10;
	v6 =	vld [tilespmem:s22+$0xFFFFFFD0];
	p0 =	slt.u32 s21, $0xF8;
	[tilespmem:s20+$0xFFFFFFE0] =	vst v5  }
0x2b: {  	v3 =	vshll.u32 v3, $0x10;
	v5 =	vld [tilespmem:s22+$0xFFFFFFE0];
	[tilespmem:s20+$0xFFFFFFF0] =	vst v4  }
0x2c: {  	v1 =	vshll.u32 v1, $0x10;
	v4 =	vld [tilespmem:s22+$0xFFFFFFF0];
	[tilespmem:s20+$0x0] =	vst v3  }
0x2d: {  	v0 =	vshll.u32 v0, $0x10;
	v3 =	vld [tilespmem:s22+$0x0];
	[tilespmem:s20+$0x10] =	vst v1  }
0x2e: {  	v2 =	vshll.u32 v2, $0x10;
	v1 =	vld [tilespmem:s22+$0x10];
	[tilespmem:s20+$0x20] =	vst v0  }
0x2f: {  	v0 =	vld [tilespmem:s22+$0x20];
	[tilespmem:s20+$0xFFFFFFC0] =	vst v2  }
0x30: {  	v2 =	vld [tilespmem:s22+$0xFFFFFFC0]  }
0x31: {  	v7 =	vld.idx.msk [tilespmem:v7+s2+$0x0], $0xffff  }
0x32: {  	v6 =	vld.idx.msk [tilespmem:v6+s2+$0x0], $0xffff  }
0x33: {  	v5 =	vld.idx.msk [tilespmem:v5+s2+$0x0], $0xffff  }
.Ltmp0:
0x34: {  	v4 =	vld.idx.msk [tilespmem:v4+s2+$0x0], $0xffff;
	(pc) =	sbr.rel @p0 .LBB2_2-.Ltmp0, $4  }
0x35: {  	v3 =	vld.idx.msk [tilespmem:v3+s2+$0x0], $0xffff  }
0x36: {  	v1 =	vld.idx.msk [tilespmem:v1+s2+$0x0], $0xffff  }
0x37: {  	s20 =	sadd.s32 $0x80, s20;
	v7 =	vshll.u32 v7, $0x10;
	v0 =	vld.idx.msk [tilespmem:v0+s2+$0x0], $0xffff  }
0x38: {  	s22 =	sadd.s32 $0x80, s22;
	v6 =	vshll.u32 v6, $0x10;
	v2 =	vld.idx.msk [tilespmem:v2+s2+$0x0], $0xffff;
	[tilespmem:s20+$0x30] =	vst v7  }
0x39: {  	[tilespmem:s20+$0xFFFFFFD0] =	vst v6;
	v5 =	vshll.u32 v5, $0x10  }
0x3a: {  	v4 =	vshll.u32 v4, $0x10;
	[tilespmem:s20+$0xFFFFFFE0] =	vst v5  }
0x3b: {  	[tilespmem:s20+$0xFFFFFFF0] =	vst v4;
	v3 =	vshll.u32 v3, $0x10  }
0x3c: {  	[tilespmem:s20+$0x0] =	vst v3;
	v1 =	vshll.u32 v1, $0x10  }
0x3d: {  	[tilespmem:s20+$0x10] =	vst v1;
	v0 =	vshll.u32 v0, $0x10  }
0x3e: {  	v1 =	vshll.u32 v2, $0x10;
	[tilespmem:s20+$0x20] =	vst v0  }
0x3f: {  	[tilespmem:s20+$0xFFFFFFC0] =	vst v1  }
0x40: {  	v0 =	vld [tilespmem:$0x19700];
	_ =	sdelay $0x7  }
0x41: {  	v0 =	vld.idx.msk [tilespmem:v0+s2+$0x0], $0xffff;
	_ =	sdelay $0x4  }
0x42: {  	v0 =	vshll.u32 v0, $0x10  }
0x43: {  	[tilespmem:$0x1A780] =	vst v0  }
0x44: {  	[hbm4b:s5+s14] =	stream.strided.scatter [tilespmem:s18], [sflag:$0x1], $0x1080, s15, s14, $0x38;
	[tilespmem:$0x1A800] =	vst v63  }
0x45: {  	_ =	swait.ge [sflag:s16], $0x1080  }
0x46: {  	[sflag:s16] =	ssyncset.done $0x0  }
0x47: {  	[sflag:s16] =	ssyncadd.s32 $0xFFFFEF80  }
0x48: {  	[tilespmem:s17], [sflag:$0x1] =	stream.strided.gather [hbm4b:s6+s14], $0x1080, s15, s14, $0x38;
	[tilespmem:$0x1A800] =	vst v63  }
0x49: {  	_ =	swait.ge [sflag:s16], $0x1080  }
0x4a: {  	[sflag:s16] =	ssyncset.done $0x0  }
0x4b: {  	s31 =	simm.s32 $0x18740;
	[sflag:s16] =	ssyncadd.s32 $0xFFFFEF80  }
0x4c: {  	v0 =	vld [tilespmem:s31+$0x30]  }
0x4d: {  	v1 =	vld [tilespmem:s31+$0xFFFFFFD0]  }
0x4e: {  	v2 =	vld [tilespmem:s31+$0xFFFFFFE0]  }
0x4f: {  	v3 =	vld [tilespmem:s31+$0xFFFFFFF0]  }
0x50: {  	v6 =	vld [tilespmem:s31+$0x0]  }
0x51: {  	v7 =	vld [tilespmem:s31+$0x10]  }
0x52: {  	v8 =	vld [tilespmem:s31+$0x20]  }
0x53: {  	v9 =	vld [tilespmem:s31+$0xFFFFFFC0]  }
0x54: {  	v10 =	vld.idx.msk [tilespmem:v0+s2+$0x0], $0xffff  }
0x55: {  	v11 =	vld.idx.msk [tilespmem:v1+s2+$0x0], $0xffff  }
0x56: {  	v5 =	vld.idx.msk [tilespmem:v2+s2+$0x0], $0xffff  }
0x57: {  	v4 =	vld.idx.msk [tilespmem:v3+s2+$0x0], $0xffff  }
0x58: {  	v3 =	vld.idx.msk [tilespmem:v6+s2+$0x0], $0xffff  }
0x59: {  	v1 =	vld.idx.msk [tilespmem:v7+s2+$0x0], $0xffff  }
0x5a: {  	s20 =	simm.s32 $0x197C0;
	v0 =	vld.idx.msk [tilespmem:v8+s2+$0x0], $0xffff;
	v7 =	vand.u32 $0xFFFF0000, v10  }
0x5b: {  	s21 =	simm.s32 $0x0;
	s22 =	simm.s32 $0x187C0;
	v2 =	vld.idx.msk [tilespmem:v9+s2+$0x0], $0xffff;
	v6 =	vand.u32 $0xFFFF0000, v11;
	[tilespmem:s20+$0x30] =	vst v7  }
.LBB2_4:
0x5c: {  	v7 =	vld [tilespmem:s22+$0x30];
	s21 =	sadd.s32 $0x8, s21;
	[tilespmem:s20+$0xFFFFFFD0] =	vst v6;
	v5 =	vand.u32 $0xFFFF0000, v5  }
0x5d: {  	v4 =	vand.u32 $0xFFFF0000, v4;
	v6 =	vld [tilespmem:s22+$0xFFFFFFD0];
	p0 =	slt.u32 s21, $0xF8;
	[tilespmem:s20+$0xFFFFFFE0] =	vst v5  }
0x5e: {  	v3 =	vand.u32 $0xFFFF0000, v3;
	v5 =	vld [tilespmem:s22+$0xFFFFFFE0];
	[tilespmem:s20+$0xFFFFFFF0] =	vst v4  }
0x5f: {  	v1 =	vand.u32 $0xFFFF0000, v1;
	v4 =	vld [tilespmem:s22+$0xFFFFFFF0];
	[tilespmem:s20+$0x0] =	vst v3  }
0x60: {  	v0 =	vand.u32 $0xFFFF0000, v0;
	v3 =	vld [tilespmem:s22+$0x0];
	[tilespmem:s20+$0x10] =	vst v1  }
0x61: {  	v2 =	vand.u32 $0xFFFF0000, v2;
	v1 =	vld [tilespmem:s22+$0x10];
	[tilespmem:s20+$0x20] =	vst v0  }
0x62: {  	v0 =	vld [tilespmem:s22+$0x20];
	[tilespmem:s20+$0xFFFFFFC0] =	vst v2  }
0x63: {  	v2 =	vld [tilespmem:s22+$0xFFFFFFC0]  }
0x64: {  	v7 =	vld.idx.msk [tilespmem:v7+s2+$0x0], $0xffff  }
0x65: {  	v6 =	vld.idx.msk [tilespmem:v6+s2+$0x0], $0xffff  }
0x66: {  	v5 =	vld.idx.msk [tilespmem:v5+s2+$0x0], $0xffff  }
.Ltmp1:
0x67: {  	v4 =	vld.idx.msk [tilespmem:v4+s2+$0x0], $0xffff;
	(pc) =	sbr.rel @p0 .LBB2_4-.Ltmp1, $4  }
0x68: {  	v3 =	vld.idx.msk [tilespmem:v3+s2+$0x0], $0xffff  }
0x69: {  	v1 =	vld.idx.msk [tilespmem:v1+s2+$0x0], $0xffff  }
0x6a: {  	s20 =	sadd.s32 $0x80, s20;
	v7 =	vand.u32 $0xFFFF0000, v7;
	v0 =	vld.idx.msk [tilespmem:v0+s2+$0x0], $0xffff  }
0x6b: {  	s22 =	sadd.s32 $0x80, s22;
	v6 =	vand.u32 $0xFFFF0000, v6;
	v2 =	vld.idx.msk [tilespmem:v2+s2+$0x0], $0xffff;
	[tilespmem:s20+$0x30] =	vst v7  }
0x6c: {  	[tilespmem:s20+$0xFFFFFFD0] =	vst v6;
	v5 =	vand.u32 $0xFFFF0000, v5  }
0x6d: {  	v4 =	vand.u32 $0xFFFF0000, v4;
	[tilespmem:s20+$0xFFFFFFE0] =	vst v5  }
0x6e: {  	[tilespmem:s20+$0xFFFFFFF0] =	vst v4;
	v3 =	vand.u32 $0xFFFF0000, v3  }
0x6f: {  	[tilespmem:s20+$0x0] =	vst v3;
	v1 =	vand.u32 $0xFFFF0000, v1  }
0x70: {  	[tilespmem:s20+$0x10] =	vst v1;
	v0 =	vand.u32 $0xFFFF0000, v0  }
0x71: {  	v1 =	vand.u32 $0xFFFF0000, v2;
	[tilespmem:s20+$0x20] =	vst v0  }
0x72: {  	[tilespmem:s20+$0xFFFFFFC0] =	vst v1  }
0x73: {  	v0 =	vld [tilespmem:$0x19700];
	_ =	sdelay $0x7  }
0x74: {  	v0 =	vld.idx.msk [tilespmem:v0+s2+$0x0], $0xffff;
	_ =	sdelay $0x4  }
0x75: {  	v0 =	vand.u32 $0xFFFF0000, v0  }
0x76: {  	[tilespmem:$0x1A780] =	vst v0  }
0x77: {  	[hbm4b:s7+s14] =	stream.strided.scatter [tilespmem:s18], [sflag:$0x1], $0x1080, s15, s14, $0x38;
	[tilespmem:$0x1A800] =	vst v63  }
0x78: {  	_ =	swait.ge [sflag:s16], $0x1080  }
0x79: {  	[sflag:s16] =	ssyncset.done $0x0  }
0x7a: {  	[sflag:s16] =	ssyncadd.s32 $0xFFFFEF80  }
0x7b: {  	[tilespmem:s2], [sflag:$0x1] =	stream.strided.gather [hbm4b:s8+s14], $0x18700, s15, s14, $0x38;
	[tilespmem:$0x1A800] =	vst v63  }
0x7c: {  	_ =	swait.ge [sflag:s16], $0x18700  }
0x7d: {  	[sflag:s16] =	ssyncset.done $0x0  }
0x7e: {  	[sflag:s16] =	ssyncadd.s32 $0xFFFE7900  }
0x7f: {  	[tilespmem:s17], [sflag:$0x1] =	stream.strided.gather [hbm4b:s9+s14], $0x1080, s15, s14, $0x38;
	[tilespmem:$0x1A800] =	vst v63  }
0x80: {  	_ =	swait.ge [sflag:s16], $0x1080  }
0x81: {  	[sflag:s16] =	ssyncset.done $0x0  }
0x82: {  	s31 =	simm.s32 $0x18740;
	[sflag:s16] =	ssyncadd.s32 $0xFFFFEF80  }
0x83: {  	v0 =	vld [tilespmem:s31+$0x30]  }
0x84: {  	v1 =	vld [tilespmem:s31+$0xFFFFFFD0]  }
0x85: {  	v2 =	vld [tilespmem:s31+$0xFFFFFFE0]  }
0x86: {  	v3 =	vld [tilespmem:s31+$0xFFFFFFF0]  }
0x87: {  	v6 =	vld [tilespmem:s31+$0x0]  }
0x88: {  	v7 =	vld [tilespmem:s31+$0x10]  }
0x89: {  	v8 =	vld [tilespmem:s31+$0x20]  }
0x8a: {  	v9 =	vld [tilespmem:s31+$0xFFFFFFC0]  }
0x8b: {  	v10 =	vld.idx.msk [tilespmem:v0+s2+$0x0], $0xffff  }
0x8c: {  	v11 =	vld.idx.msk [tilespmem:v1+s2+$0x0], $0xffff  }
0x8d: {  	v5 =	vld.idx.msk [tilespmem:v2+s2+$0x0], $0xffff  }
0x8e: {  	v4 =	vld.idx.msk [tilespmem:v3+s2+$0x0], $0xffff  }
0x8f: {  	v3 =	vld.idx.msk [tilespmem:v6+s2+$0x0], $0xffff  }
0x90: {  	v1 =	vld.idx.msk [tilespmem:v7+s2+$0x0], $0xffff  }
0x91: {  	s20 =	simm.s32 $0x197C0;
	v0 =	vld.idx.msk [tilespmem:v8+s2+$0x0], $0xffff;
	v7 =	vshll.u32 v10, $0x10  }
0x92: {  	s21 =	simm.s32 $0x0;
	s22 =	simm.s32 $0x187C0;
	v2 =	vld.idx.msk [tilespmem:v9+s2+$0x0], $0xffff;
	v6 =	vshll.u32 v11, $0x10;
	[tilespmem:s20+$0x30] =	vst v7  }
.LBB2_6:
0x93: {  	v7 =	vld [tilespmem:s22+$0x30];
	s21 =	sadd.s32 $0x8, s21;
	[tilespmem:s20+$0xFFFFFFD0] =	vst v6;
	v5 =	vshll.u32 v5, $0x10  }
0x94: {  	v4 =	vshll.u32 v4, $0x10;
	v6 =	vld [tilespmem:s22+$0xFFFFFFD0];
	p0 =	slt.u32 s21, $0xF8;
	[tilespmem:s20+$0xFFFFFFE0] =	vst v5  }
0x95: {  	v3 =	vshll.u32 v3, $0x10;
	v5 =	vld [tilespmem:s22+$0xFFFFFFE0];
	[tilespmem:s20+$0xFFFFFFF0] =	vst v4  }
0x96: {  	v1 =	vshll.u32 v1, $0x10;
	v4 =	vld [tilespmem:s22+$0xFFFFFFF0];
	[tilespmem:s20+$0x0] =	vst v3  }
0x97: {  	v0 =	vshll.u32 v0, $0x10;
	v3 =	vld [tilespmem:s22+$0x0];
	[tilespmem:s20+$0x10] =	vst v1  }
0x98: {  	v2 =	vshll.u32 v2, $0x10;
	v1 =	vld [tilespmem:s22+$0x10];
	[tilespmem:s20+$0x20] =	vst v0  }
0x99: {  	v0 =	vld [tilespmem:s22+$0x20];
	[tilespmem:s20+$0xFFFFFFC0] =	vst v2  }
0x9a: {  	v2 =	vld [tilespmem:s22+$0xFFFFFFC0]  }
0x9b: {  	v7 =	vld.idx.msk [tilespmem:v7+s2+$0x0], $0xffff  }
0x9c: {  	v6 =	vld.idx.msk [tilespmem:v6+s2+$0x0], $0xffff  }
0x9d: {  	v5 =	vld.idx.msk [tilespmem:v5+s2+$0x0], $0xffff  }
.Ltmp2:
0x9e: {  	v4 =	vld.idx.msk [tilespmem:v4+s2+$0x0], $0xffff;
	(pc) =	sbr.rel @p0 .LBB2_6-.Ltmp2, $4  }
0x9f: {  	v3 =	vld.idx.msk [tilespmem:v3+s2+$0x0], $0xffff  }
0xa0: {  	v1 =	vld.idx.msk [tilespmem:v1+s2+$0x0], $0xffff  }
0xa1: {  	s20 =	sadd.s32 $0x80, s20;
	v7 =	vshll.u32 v7, $0x10;
	v0 =	vld.idx.msk [tilespmem:v0+s2+$0x0], $0xffff  }
0xa2: {  	s22 =	sadd.s32 $0x80, s22;
	v6 =	vshll.u32 v6, $0x10;
	v2 =	vld.idx.msk [tilespmem:v2+s2+$0x0], $0xffff;
	[tilespmem:s20+$0x30] =	vst v7  }
0xa3: {  	[tilespmem:s20+$0xFFFFFFD0] =	vst v6;
	v5 =	vshll.u32 v5, $0x10  }
0xa4: {  	v4 =	vshll.u32 v4, $0x10;
	[tilespmem:s20+$0xFFFFFFE0] =	vst v5  }
0xa5: {  	[tilespmem:s20+$0xFFFFFFF0] =	vst v4;
	v3 =	vshll.u32 v3, $0x10  }
0xa6: {  	[tilespmem:s20+$0x0] =	vst v3;
	v1 =	vshll.u32 v1, $0x10  }
0xa7: {  	[tilespmem:s20+$0x10] =	vst v1;
	v0 =	vshll.u32 v0, $0x10  }
0xa8: {  	v1 =	vshll.u32 v2, $0x10;
	[tilespmem:s20+$0x20] =	vst v0  }
0xa9: {  	[tilespmem:s20+$0xFFFFFFC0] =	vst v1  }
0xaa: {  	v0 =	vld [tilespmem:$0x19700];
	_ =	sdelay $0x7  }
0xab: {  	v0 =	vld.idx.msk [tilespmem:v0+s2+$0x0], $0xffff;
	_ =	sdelay $0x4  }
0xac: {  	v0 =	vshll.u32 v0, $0x10  }
0xad: {  	[tilespmem:$0x1A780] =	vst v0  }
0xae: {  	[hbm4b:s10+s14] =	stream.strided.scatter [tilespmem:s18], [sflag:$0x1], $0x1080, s15, s14, $0x38;
	[tilespmem:$0x1A800] =	vst v63  }
0xaf: {  	_ =	swait.ge [sflag:s16], $0x1080  }
0xb0: {  	[sflag:s16] =	ssyncset.done $0x0  }
0xb1: {  	[sflag:s16] =	ssyncadd.s32 $0xFFFFEF80  }
0xb2: {  	[tilespmem:s17], [sflag:$0x1] =	stream.strided.gather [hbm4b:s11+s14], $0x1080, s15, s14, $0x38;
	[tilespmem:$0x1A800] =	vst v63  }
0xb3: {  	_ =	swait.ge [sflag:s16], $0x1080  }
0xb4: {  	[sflag:s16] =	ssyncset.done $0x0  }
0xb5: {  	s31 =	simm.s32 $0x18740;
	[sflag:s16] =	ssyncadd.s32 $0xFFFFEF80  }
0xb6: {  	v0 =	vld [tilespmem:s31+$0x30]  }
0xb7: {  	v1 =	vld [tilespmem:s31+$0xFFFFFFD0]  }
0xb8: {  	v2 =	vld [tilespmem:s31+$0xFFFFFFE0]  }
0xb9: {  	v3 =	vld [tilespmem:s31+$0xFFFFFFF0]  }
0xba: {  	v6 =	vld [tilespmem:s31+$0x0]  }
0xbb: {  	v7 =	vld [tilespmem:s31+$0x10]  }
0xbc: {  	v8 =	vld [tilespmem:s31+$0x20]  }
0xbd: {  	v9 =	vld [tilespmem:s31+$0xFFFFFFC0]  }
0xbe: {  	v10 =	vld.idx.msk [tilespmem:v0+s2+$0x0], $0xffff  }
0xbf: {  	v11 =	vld.idx.msk [tilespmem:v1+s2+$0x0], $0xffff  }
0xc0: {  	v5 =	vld.idx.msk [tilespmem:v2+s2+$0x0], $0xffff  }
0xc1: {  	v4 =	vld.idx.msk [tilespmem:v3+s2+$0x0], $0xffff  }
0xc2: {  	v3 =	vld.idx.msk [tilespmem:v6+s2+$0x0], $0xffff  }
0xc3: {  	v1 =	vld.idx.msk [tilespmem:v7+s2+$0x0], $0xffff  }
0xc4: {  	s20 =	simm.s32 $0x197C0;
	v0 =	vld.idx.msk [tilespmem:v8+s2+$0x0], $0xffff;
	v7 =	vand.u32 $0xFFFF0000, v10  }
0xc5: {  	s21 =	simm.s32 $0x0;
	s22 =	simm.s32 $0x187C0;
	v2 =	vld.idx.msk [tilespmem:v9+s2+$0x0], $0xffff;
	v6 =	vand.u32 $0xFFFF0000, v11;
	[tilespmem:s20+$0x30] =	vst v7  }
.LBB2_8:
0xc6: {  	v7 =	vld [tilespmem:s22+$0x30];
	s21 =	sadd.s32 $0x8, s21;
	[tilespmem:s20+$0xFFFFFFD0] =	vst v6;
	v5 =	vand.u32 $0xFFFF0000, v5  }
0xc7: {  	v4 =	vand.u32 $0xFFFF0000, v4;
	v6 =	vld [tilespmem:s22+$0xFFFFFFD0];
	p0 =	slt.u32 s21, $0xF8;
	[tilespmem:s20+$0xFFFFFFE0] =	vst v5  }
0xc8: {  	v3 =	vand.u32 $0xFFFF0000, v3;
	v5 =	vld [tilespmem:s22+$0xFFFFFFE0];
	[tilespmem:s20+$0xFFFFFFF0] =	vst v4  }
0xc9: {  	v1 =	vand.u32 $0xFFFF0000, v1;
	v4 =	vld [tilespmem:s22+$0xFFFFFFF0];
	[tilespmem:s20+$0x0] =	vst v3  }
0xca: {  	v0 =	vand.u32 $0xFFFF0000, v0;
	v3 =	vld [tilespmem:s22+$0x0];
	[tilespmem:s20+$0x10] =	vst v1  }
0xcb: {  	v2 =	vand.u32 $0xFFFF0000, v2;
	v1 =	vld [tilespmem:s22+$0x10];
	[tilespmem:s20+$0x20] =	vst v0  }
0xcc: {  	v0 =	vld [tilespmem:s22+$0x20];
	[tilespmem:s20+$0xFFFFFFC0] =	vst v2  }
0xcd: {  	v2 =	vld [tilespmem:s22+$0xFFFFFFC0]  }
0xce: {  	v7 =	vld.idx.msk [tilespmem:v7+s2+$0x0], $0xffff  }
0xcf: {  	v6 =	vld.idx.msk [tilespmem:v6+s2+$0x0], $0xffff  }
0xd0: {  	v5 =	vld.idx.msk [tilespmem:v5+s2+$0x0], $0xffff  }
.Ltmp3:
0xd1: {  	v4 =	vld.idx.msk [tilespmem:v4+s2+$0x0], $0xffff;
	(pc) =	sbr.rel @p0 .LBB2_8-.Ltmp3, $4  }
0xd2: {  	v3 =	vld.idx.msk [tilespmem:v3+s2+$0x0], $0xffff  }
0xd3: {  	v1 =	vld.idx.msk [tilespmem:v1+s2+$0x0], $0xffff  }
0xd4: {  	s20 =	sadd.s32 $0x80, s20;
	v7 =	vand.u32 $0xFFFF0000, v7;
	v0 =	vld.idx.msk [tilespmem:v0+s2+$0x0], $0xffff  }
0xd5: {  	s22 =	sadd.s32 $0x80, s22;
	v6 =	vand.u32 $0xFFFF0000, v6;
	v2 =	vld.idx.msk [tilespmem:v2+s2+$0x0], $0xffff;
	[tilespmem:s20+$0x30] =	vst v7  }
0xd6: {  	[tilespmem:s20+$0xFFFFFFD0] =	vst v6;
	v5 =	vand.u32 $0xFFFF0000, v5  }
0xd7: {  	v4 =	vand.u32 $0xFFFF0000, v4;
	[tilespmem:s20+$0xFFFFFFE0] =	vst v5  }
0xd8: {  	[tilespmem:s20+$0xFFFFFFF0] =	vst v4;
	v3 =	vand.u32 $0xFFFF0000, v3  }
0xd9: {  	[tilespmem:s20+$0x0] =	vst v3;
	v1 =	vand.u32 $0xFFFF0000, v1  }
0xda: {  	[tilespmem:s20+$0x10] =	vst v1;
	v0 =	vand.u32 $0xFFFF0000, v0  }
0xdb: {  	v63 =	vand.u32 $0xFFFF0000, v2;
	[tilespmem:s20+$0x20] =	vst v0  }
0xdc: {  	[tilespmem:s20+$0xFFFFFFC0] =	vst v63  }
0xdd: {  	v0 =	vld [tilespmem:$0x19700];
	_ =	sdelay $0x7  }
0xde: {  	v0 =	vld.idx.msk [tilespmem:v0+s2+$0x0], $0xffff;
	_ =	sdelay $0x3  }
0xdf: {  	s19 =	sadd.s32 $0x1, s19  }
0xe0: {  	p0 =	sne.s32 s19, s13;
	v0 =	vand.u32 $0xFFFF0000, v0  }
.Ltmp4:
0xe1: {  	[tilespmem:$0x1A780] =	vst v0;
	(pc) =	sbr.rel @p0 .LBB2_1-.Ltmp4, $4  }
0xe2: {  	[hbm4b:s12+s14] =	stream.strided.scatter [tilespmem:s18], [sflag:$0x1], $0x1080, s15, s14, $0x38;
	[tilespmem:$0x1A800] =	vst v63  }
0xe3: {  	_ =	swait.ge [sflag:s16], $0x1080  }
0xe4: {  	[sflag:s16] =	ssyncset.done $0x0  }
0xe5: {  	[sflag:s16] =	ssyncadd.s32 $0xFFFFEF80  }
0xe6: {  	_ =	sfence.sel $0x180000  }
0xe7: {  	[bflag:$0x0] =	sbarrier.arrive $0xFFFF  }
0xe8: {  	p0 =	sne.s32 s0, $0x0;
	_ =	strace $0x90000047  }
0xe9: {  	s0 =	sadd.s32 @!p0 $0x100000, s1;
	[bflag:$0x2] =	sbarrier.arrive $0xFFFF  }
0xea: {  	[sflag:s0] =	ssyncadd.tile.s32 @!p0 $0x1;
	_ =	shalt  }
.Lfunc_end2:
_tile_overlayer_lowered:
.L_overlay_start_2:
0xeb: {  	(tag) =	ssettag $0x2  }
0xec: {  	s0 =	rddreg [dreg:$0x0];
	s2 =	stileid.u32  }
0xed: {  	s1 =	rddreg [dreg:$0x1];
	p0 =	sne.s32 s2, $0x0  }
0xee: {  	s3 =	rddreg [dreg:$0x2];
	[bflag:$0x3] =	sbarrier.arrive $0xFFFF;
	s2 =	simm.s32 @!p0 $0x1C01  }
0xef: {  	[timem:s3], [sflag:s2] =	dma.local @!p0 [hbm:s0], s1  }
0xf0: {  	s0 =	simm.s32 @!p0 $0x1  }
0xf1: {  	_ =	swait.ge @!p0 [sflag:s0], s1  }
0xf2: {  	s1 =	ssub.s32 @!p0 $0x0, s1;
	[sflag:s0] =	ssyncset.done @!p0 $0x0  }
0xf3: {  	[sflag:s0] =	ssyncadd.s32 @!p0 s1  }
0xf4: {  	[bflag:$0x3] =	sbarrier.arrive $0xFFFF  }
0xf5: {  	_ =	shalt  }

</sc_bundles>
